<compile_context>
chip_gen: v7x
topology: tpu7x:2x2x1
jax: 0.10.2.dev20260603
libtpu: 0.0.44.dev20260713+nightly
codegen_flags: <defaults>
</compile_context>

<pallas_src>
import functools

import jax
import jax.numpy as jnp
from jax import lax
from jax.experimental import pallas as pl
from jax.experimental.pallas import tpu as pltpu
from jax.experimental.pallas import tpu_sc as plsc

N = 10000
E = 320000
IN = 128
OUT = 128
NB = 2
T = 2
R = 4
RTT = R * T * T

NC = 2
NS = 16
NW = NC * NS
CH = 128
NCHUNK = 79
E_PAD = NW * NCHUNK * CH
RPT = 632
NP = RPT * NS
NPACK = NP // 4
BN = 400
BF = 2000
HL = RTT * OUT


def _wbig_body(w_ref, wct0_ref, wct1_ref, wbig_ref):
    oo = lax.broadcasted_iota(jnp.int32, (IN, HL), 0)
    cc = lax.broadcasted_iota(jnp.int32, (IN, HL), 1)
    e = jnp.where(oo == (cc >> 4), 1.0, 0.0).astype(jnp.float32)
    w0r = lax.dot_general(w_ref[:, :IN], e, (((0,), (0,)), ((), ())),
                          preferred_element_type=jnp.float32)
    w1r = lax.dot_general(w_ref[:, IN:], e, (((0,), (0,)), ((), ())),
                          preferred_element_type=jnp.float32)
    wbig_ref[...] = w0r * wct0_ref[...] + w1r * wct1_ref[...]


def _h_body(x_ref, wbig_ref, h_ref):
    h2d = lax.dot_general(x_ref[...].astype(jnp.bfloat16),
                          wbig_ref[...].astype(jnp.bfloat16),
                          (((1,), (0,)), ((), ())),
                          preferred_element_type=jnp.float32)
    h_ref[...] = h2d.reshape(BN, RTT, OUT)


def _final_body(p_ref, b_ref, o_ref):
    o_ref[...] = p_ref[0] + p_ref[1] + b_ref[...]


def _sc_body(edges_hbm, ntp_hbm, h_hbm, out_hbm,
             ebuf, ntp_v, gidx_v, rows_v, agg_sh, fsem, gsem):
    c = lax.axis_index("c")
    s = lax.axis_index("s")
    wid = s * NC + c

    pltpu.sync_copy(ntp_hbm, ntp_v)

    @pl.loop(0, 2 * CH * (OUT // 16))
    def _zero_rows(i):
        r = i // (OUT // 16)
        k = (i % (OUT // 16)) * 16
        rows_v[r, pl.ds(k, 16)] = jnp.zeros((16,), jnp.float32)

    base = s * RPT

    @pl.loop(0, 4)
    def _zero_agg(j):
        pltpu.sync_copy(rows_v.at[pl.ds(0, CH)],
                        agg_sh.at[pl.ds(base + j * CH, CH)])

    pltpu.sync_copy(rows_v.at[pl.ds(0, RPT - 4 * CH)],
                    agg_sh.at[pl.ds(base + 4 * CH, RPT - 4 * CH)])
    plsc.subcore_barrier()

    def compute_gidx(b):
        @pl.loop(0, CH // 16)
        def _indices(k):
            sl = pl.ds(k * 16, 16)
            sv = ebuf[b * 3 + 0, sl]
            dv = ebuf[b * 3 + 1, sl]
            ev = ebuf[b * 3 + 2, sl]
            ws = plsc.load_gather(ntp_v, [sv >> 2])
            wd = plsc.load_gather(ntp_v, [dv >> 2])
            nts = (ws >> ((sv & 3) * 8)) & 3
            ntd = (wd >> ((dv & 3) * 8)) & 3
            gidx_v[b, sl] = sv * RTT + nts * (T * R) + ntd * R + ev

    def start_fetch(j, b):
        pltpu.async_copy(edges_hbm.at[wid, j], ebuf.at[pl.ds(b * 3, 3)], fsem)

    def wait_fetch(j, b):
        pltpu.make_async_copy(edges_hbm.at[wid, j], ebuf.at[pl.ds(b * 3, 3)],
                              fsem).wait()

    def start_gather(b):
        pltpu.async_copy(h_hbm.at[gidx_v.at[b]],
                         rows_v.at[pl.ds(b * CH, CH)], gsem)

    def wait_gather(b):
        pltpu.make_async_copy(h_hbm.at[gidx_v.at[b]],
                              rows_v.at[pl.ds(b * CH, CH)], gsem).wait()

    def scatter_add(b):
        pltpu.sync_copy(rows_v.at[pl.ds(b * CH, CH)],
                        agg_sh.at[ebuf.at[b * 3 + 1]], add=True)

    pltpu.sync_copy(edges_hbm.at[wid, 0], ebuf.at[pl.ds(0, 3)])
    compute_gidx(0)
    start_gather(0)
    start_fetch(1, 1)

    @pl.loop(0, NCHUNK - 1)
    def _chunks(j):
        b = lax.rem(j, 2)
        bn = 1 - b
        jn = j + 1
        wait_fetch(jn, bn)
        compute_gidx(bn)
        wait_gather(b)
        start_gather(bn)
        scatter_add(b)

        @pl.when(jn < NCHUNK - 1)
        def _():
            start_fetch(j + 2, b)

    b_last = (NCHUNK - 1) % 2
    wait_gather(b_last)
    scatter_add(b_last)

    plsc.subcore_barrier()
    pltpu.sync_copy(agg_sh.at[pl.ds(base, RPT)],
                    out_hbm.at[c, pl.ds(base, RPT)])


def _make_sc_kernel():
    return functools.partial(
        pl.kernel,
        out_type=jax.ShapeDtypeStruct((NC, NP, OUT), jnp.float32),
        mesh=plsc.VectorSubcoreMesh(core_axis_name="c", subcore_axis_name="s",
                                    num_cores=NC, num_subcores=NS),
        scratch_types=[
            pltpu.VMEM((6, CH), jnp.int32),
            pltpu.VMEM((NPACK,), jnp.int32),
            pltpu.VMEM((2, CH), jnp.int32),
            pltpu.VMEM((2 * CH, OUT), jnp.float32),
            pltpu.VMEM_SHARED((NP, OUT), jnp.float32),
            pltpu.SemaphoreType.DMA,
            pltpu.SemaphoreType.DMA,
        ],
        compiler_params=pltpu.CompilerParams(needs_layout_passes=False),
    )(_sc_body)


def kernel(x, node_type, edge_index, edge_type, weight, w_comp, bias):
    src = edge_index[0]
    dst = edge_index[1]
    pad = E_PAD - E

    src_p = jnp.concatenate(
        [src, jnp.zeros((pad,), jnp.int32)]).reshape(NW, NCHUNK, CH)
    dst_p = jnp.concatenate(
        [dst, jnp.full((pad,), NP - 1, jnp.int32)]).reshape(NW, NCHUNK, CH)
    et_p = jnp.concatenate(
        [edge_type, jnp.zeros((pad,), jnp.int32)]).reshape(NW, NCHUNK, CH)
    edges_p = jnp.stack([src_p, dst_p, et_p], axis=2)

    nt_pad = jnp.concatenate([node_type, jnp.zeros((NP - N,), jnp.int32)])
    ntp = lax.bitcast_convert_type(
        nt_pad.astype(jnp.int8).reshape(NPACK, 4), jnp.int32)

    w2d = weight.reshape(OUT, NB * IN)
    wct0 = jnp.tile(w_comp[:, 0], OUT).reshape(1, HL)
    wct1 = jnp.tile(w_comp[:, 1], OUT).reshape(1, HL)

    wbig = pl.pallas_call(
        _wbig_body,
        in_specs=[
            pl.BlockSpec((OUT, NB * IN), lambda: (0, 0)),
            pl.BlockSpec((1, HL), lambda: (0, 0)),
            pl.BlockSpec((1, HL), lambda: (0, 0)),
        ],
        out_specs=pl.BlockSpec((IN, HL), lambda: (0, 0)),
        out_shape=jax.ShapeDtypeStruct((IN, HL), jnp.float32),
    )(w2d, wct0, wct1)

    h = pl.pallas_call(
        _h_body,
        grid=(N // BN,),
        in_specs=[
            pl.BlockSpec((BN, IN), lambda i: (i, 0)),
            pl.BlockSpec((IN, HL), lambda i: (0, 0)),
        ],
        out_specs=pl.BlockSpec((BN, RTT, OUT), lambda i: (i, 0, 0)),
        out_shape=jax.ShapeDtypeStruct((N, RTT, OUT), jnp.float32),
    )(x, wbig)
    h_flat = h.reshape(RTT * N, OUT)

    partial = _make_sc_kernel()(edges_p, ntp, h_flat)

    out = pl.pallas_call(
        _final_body,
        grid=(N // BF,),
        in_specs=[
            pl.BlockSpec((NC, BF, OUT), lambda i: (0, i, 0)),
            pl.BlockSpec((1, OUT), lambda i: (0, 0)),
        ],
        out_specs=pl.BlockSpec((BF, OUT), lambda i: (i, 0)),
        out_shape=jax.ShapeDtypeStruct((N, OUT), jnp.float32),
    )(partial, bias)
    return out

# --- scband reference (transcript-rebuilt; emitter-appended) ---
"""Pipeline reference for scband-super-rgcnlayer-86835648791384 (READ-ONLY COPY).

The authoritative reference and input builder live on the scoring server;
editing this copy changes nothing except your own understanding.
"""

import jax, jax.numpy as jnp
import numpy as np

N = 10000
E = 320000
IN = 128
OUT = 128
NB = 2          # num_bases
T = 2           # num_node_types
R = 4           # num_relation_types (MUST equal T*T for the original view() to be shape-consistent)
RTT = R * T * T # 16, also equals R*R


def setup_inputs(seed: int = 0) -> dict:
    key = jax.random.key(seed)
    ks = jax.random.split(key, 8)
    x = jax.random.normal(ks[0], (N, IN), dtype=jnp.float32)
    node_type = jax.random.randint(ks[1], (N,), 0, T, dtype=jnp.int32)
    edge_index = jax.random.randint(ks[2], (2, E), 0, N, dtype=jnp.int32)
    edge_type = jax.random.randint(ks[3], (E,), 0, R, dtype=jnp.int32)
    # learned parameters (per __init__): weight (num_bases, in, out), w_comp (R*T*T, num_bases), bias (1, out)
    weight = jax.random.normal(ks[4], (NB, IN, OUT), dtype=jnp.float32) * (1.0 / np.sqrt(IN))
    w_comp = jax.random.normal(ks[5], (RTT, NB), dtype=jnp.float32) * 0.5
    bias = jax.random.normal(ks[6], (1, OUT), dtype=jnp.float32) * 0.02
    return {"x": x, "node_type": node_type, "edge_index": edge_index,
            "edge_type": edge_type, "weight": weight, "w_comp": w_comp, "bias": bias}


def reference(x, node_type, edge_index, edge_type, weight, w_comp, bias):
    # weight.view(out, num_bases, in): raw row-major reinterpretation of the (NB, IN, OUT) buffer
    w_viewed = weight.reshape(OUT, NB, IN)
    # torch.matmul(w_comp [RTT,B], weight [OUT,B,IN]) -> [OUT, RTT, IN], then .view(R*R, OUT, IN)
    combined = jnp.einsum('rb,obi->ori', w_comp, w_viewed).reshape(R * R, OUT, IN)
    src = edge_index[0]
    dst = edge_index[1]
    # composite relation id: src_type * T * R + dst_type * R + rel  (max = (T-1)*T*R+(T-1)*R+R-1 = 15 < R*R)
    comp_rel = node_type[src] * (T * R) + node_type[dst] * R + edge_type
    # message: msg[e] = combined[comp_rel[e]] @ x[src[e]]
    # computed via node-wise precompute H[n,r,:] = combined[r] @ x[n] then SparseCore-style gather,
    # mathematically identical to the per-edge bmm (dropout omitted = eval mode)
    H = jnp.einsum('roi,ni->nro', combined, x)            # [N, R*R, OUT]
    msg = H[src, comp_rel]                                # gather -> [E, OUT]
    # fn.sum(msg -> 'embd'): scatter-add by destination node
    agg = jax.ops.segment_sum(msg, dst, num_segments=N)   # [N, OUT]
    # apply_func: add bias (activation is None)
    out = agg + bias
    return out

if __name__ == "__main__":
    import jax
    _d = setup_inputs()
    print(jax.jit(kernel)(*tuple(_d.values())))

</pallas_src>

<mosaic_0001>
#map = affine_map<(d0, d1) -> (0, 0, 0, 0)>
#map1 = affine_map<(d0, d1) -> (0)>
#map2 = affine_map<(d0, d1) -> (0, 0)>
#map3 = affine_map<(d0, d1) -> (0, 0, 0)>
module attributes {stable_mosaic.version = 14 : i64} {
  func.func @_sc_body(%arg0: i32, %arg1: i32, %arg2: memref<32x79x3x128xi32, #tpu.memory_space<hbm>>, %arg3: memref<2528xi32, #tpu.memory_space<hbm>>, %arg4: memref<160000x128xf32, #tpu.memory_space<hbm>>, %arg5: memref<2x10112x128xf32, #tpu.memory_space<hbm>>, %arg6: memref<6x128xi32, #tpu.memory_space<vmem>>, %arg7: memref<2528xi32, #tpu.memory_space<vmem>>, %arg8: memref<2x128xi32, #tpu.memory_space<vmem>>, %arg9: memref<256x128xf32, #tpu.memory_space<vmem>>, %arg10: memref<10112x128xf32, #tpu.memory_space<vmem_shared>>, %arg11: memref<!tpu.dma_semaphore, #tpu.memory_space<semaphore_mem>>, %arg12: memref<!tpu.dma_semaphore, #tpu.memory_space<semaphore_mem>>) attributes {dimension_semantics = [#tpu.dimension_semantics<core_parallel>, #tpu.dimension_semantics<subcore_parallel>], iteration_bounds = array<i64: 2, 16>, scalar_prefetch = 0 : i64, scratch_operands = 7 : i64, tpu.core_type = #tpu.core_type<sc_vector_subcore>, window_params = [{transform_indices = #map}, {transform_indices = #map1}, {transform_indices = #map2}, {transform_indices = #map3}]} {
    %mul3A = arith.constant 2 : i32
    %mul3A_0 = arith.muli %arg1, %mul3A : i32
    %add3A = arith.addi %mul3A_0, %arg0 : i32
    "tpu.region"() ({
      %run_scoped3A_59 = tpu.sem_alloc : memref<!tpu.dma_semaphore, #tpu.memory_space<semaphore_mem>>
      tpu.enqueue_dma source(%arg3 : memref<2528xi32, #tpu.memory_space<hbm>>) target(%arg7 : memref<2528xi32, #tpu.memory_space<vmem>>) target_semaphore(%run_scoped3A_59 : memref<!tpu.dma_semaphore, #tpu.memory_space<semaphore_mem>>)
      tpu.wait_dma2 semaphore(%run_scoped3A_59 : memref<!tpu.dma_semaphore, #tpu.memory_space<semaphore_mem>>) src(%arg3 : memref<2528xi32, #tpu.memory_space<hbm>>) dst(%arg7 : memref<2528xi32, #tpu.memory_space<vmem>>)
      tpu.yield
    }) : () -> ()
    %scan3A = arith.constant 0 : i32
    %scan3A_1 = arith.constant 2048 : i32
    %scan3A_2 = arith.addi %scan3A, %scan3A_1 : i32
    %scan3A_3 = arith.constant 1 : i32
    scf.for %scan3A_59 = %scan3A to %scan3A_2 step %scan3A_3  : i32 {
      %mul3A_60 = arith.constant 1 : i32
      %mul3A_61 = arith.muli %scan3A_59, %mul3A_60 : i32
      %add3A_62 = arith.constant 0 : i32
      %add3A_63 = arith.addi %add3A_62, %mul3A_61 : i32
      %jit3A = arith.constant 8 : i32
      %div3A = arith.divsi %add3A_63, %jit3A : i32
      %sign3A = arith.constant 0 : i32
      %sign3A_64 = arith.cmpi sgt, %add3A_63, %sign3A : i32
      %sign3A_65 = arith.extui %sign3A_64 : i1 to i32
      %sign3A_66 = arith.constant 0 : i32
      %sign3A_67 = arith.cmpi slt, %add3A_63, %sign3A_66 : i32
      %sign3A_68 = arith.extui %sign3A_67 : i1 to i32
      %sign3A_69 = arith.subi %sign3A_65, %sign3A_68 : i32
      %sign3A_70 = arith.constant 0 : i32
      %sign3A_71 = arith.cmpi sgt, %jit3A, %sign3A_70 : i32
      %sign3A_72 = arith.extui %sign3A_71 : i1 to i32
      %sign3A_73 = arith.constant 0 : i32
      %sign3A_74 = arith.cmpi slt, %jit3A, %sign3A_73 : i32
      %sign3A_75 = arith.extui %sign3A_74 : i1 to i32
      %sign3A_76 = arith.subi %sign3A_72, %sign3A_75 : i32
      %ne3A = arith.cmpi ne, %sign3A_69, %sign3A_76 : i32
      %rem3A = arith.remsi %add3A_63, %jit3A : i32
      %ne3A_77 = arith.constant 0 : i32
      %ne3A_78 = arith.cmpi ne, %rem3A, %ne3A_77 : i32
      %and3A = arith.andi %ne3A, %ne3A_78 : i1
      %sub3A = arith.constant 1 : i32
      %sub3A_79 = arith.subi %div3A, %sub3A : i32
      %select_n3A = arith.select %and3A, %sub3A_79, %div3A : i32
      %jit3A_80 = arith.constant 8 : i32
      %eq3A = arith.constant 0 : i32
      %eq3A_81 = arith.cmpi eq, %jit3A_80, %eq3A : i32
      %jit3A_82 = arith.constant 1 : i32
      %select_n3A_83 = arith.select %eq3A_81, %jit3A_82, %jit3A_80 : i32
      %rem3A_84 = arith.remsi %add3A_63, %select_n3A_83 : i32
      %ne3A_85 = arith.constant 0 : i32
      %ne3A_86 = arith.cmpi ne, %rem3A_84, %ne3A_85 : i32
      %lt3A = arith.constant 0 : i32
      %lt3A_87 = arith.cmpi slt, %rem3A_84, %lt3A : i32
      %lt3A_88 = arith.constant 0 : i32
      %lt3A_89 = arith.cmpi slt, %select_n3A_83, %lt3A_88 : i32
      %ne3A_90 = arith.xori %lt3A_87, %lt3A_89 : i1
      %and3A_91 = arith.andi %ne3A_90, %ne3A_86 : i1
      %add3A_92 = arith.addi %rem3A_84, %select_n3A_83 : i32
      %select_n3A_93 = arith.select %and3A_91, %add3A_92, %rem3A_84 : i32
      %mul3A_94 = arith.constant 16 : i32
      %mul3A_95 = arith.muli %select_n3A_93, %mul3A_94 : i32
      %broadcast_in_dim3A = arith.constant 0.000000e+00 : f32
      %broadcast_in_dim3A_96 = vector.broadcast %broadcast_in_dim3A : f32 to vector<16xf32>
      %swap3A = arith.index_cast %select_n3A : i32 to index
      %swap3A_97 = arith.index_cast %mul3A_95 : i32 to index
      %swap3A_98 = tpu.vector_load %arg9[%swap3A, %swap3A_97] {strides = array<i32>} : memref<256x128xf32, #tpu.memory_space<vmem>>, vector<16xf32>,
      tpu.vector_store %arg9[%swap3A, %swap3A_97], %broadcast_in_dim3A_96 {strides = array<i32>} : memref<256x128xf32, #tpu.memory_space<vmem>>, vector<16xf32>,
    }
    %scan3A_4 = arith.constant 2048 : i32
    %mul3A_5 = arith.constant 632 : i32
    %mul3A_6 = arith.muli %arg1, %mul3A_5 : i32
    %scan3A_7 = arith.constant 0 : i32
    %scan3A_8 = arith.constant 4 : i32
    %scan3A_9 = arith.addi %scan3A_7, %scan3A_8 : i32
    %scan3A_10 = arith.constant 1 : i32
    scf.for %scan3A_59 = %scan3A_7 to %scan3A_9 step %scan3A_10  : i32 {
      %mul3A_60 = arith.constant 1 : i32
      %mul3A_61 = arith.muli %scan3A_59, %mul3A_60 : i32
      %add3A_62 = arith.constant 0 : i32
      %add3A_63 = arith.addi %add3A_62, %mul3A_61 : i32
      %mul3A_64 = arith.constant 128 : i32
      %mul3A_65 = arith.muli %add3A_63, %mul3A_64 : i32
      %add3A_66 = arith.addi %mul3A_6, %mul3A_65 : i32
      "tpu.region"() ({
        %run_scoped3A_67 = tpu.sem_alloc : memref<!tpu.dma_semaphore, #tpu.memory_space<semaphore_mem>>
        %dma_start3A_68 = arith.constant 0 : i32
        %dma_start3A_69 = arith.constant 0 : i32
        %dma_start3A_70 = tpu.memref_slice %arg9[%dma_start3A_68, %dma_start3A_69] : memref<256x128xf32, #tpu.memory_space<vmem>> -> memref<128x128xf32, #tpu.memory_space<vmem>>
        %dma_start3A_71 = arith.constant 0 : i32
        %dma_start3A_72 = tpu.memref_slice %arg10[%add3A_66, %dma_start3A_71] : memref<10112x128xf32, #tpu.memory_space<vmem_shared>> -> memref<128x128xf32, #tpu.memory_space<vmem_shared>>
        %dma_start3A_73 = arith.constant 0 : i32
        %dma_start3A_74 = tpu.memref_slice %arg10[%add3A_66, %dma_start3A_73] : memref<10112x128xf32, #tpu.memory_space<vmem_shared>> -> memref<128x128xf32, #tpu.memory_space<vmem_shared>>
        %dma_start3A_75 = arith.constant 0 : i32
        %dma_start3A_76 = arith.constant 0 : i32
        %dma_start3A_77 = tpu.memref_slice %arg9[%dma_start3A_75, %dma_start3A_76] : memref<256x128xf32, #tpu.memory_space<vmem>> -> memref<128x128xf32, #tpu.memory_space<vmem>>
        tpu.enqueue_dma source(%dma_start3A_77 : memref<128x128xf32, #tpu.memory_space<vmem>>) target(%dma_start3A_74 : memref<128x128xf32, #tpu.memory_space<vmem_shared>>) target_semaphore(%run_scoped3A_67 : memref<!tpu.dma_semaphore, #tpu.memory_space<semaphore_mem>>)
        %dma_wait3A_78 = arith.constant 0 : i32
        %dma_wait3A_79 = arith.constant 0 : i32
        %dma_wait3A_80 = tpu.memref_slice %arg9[%dma_wait3A_78, %dma_wait3A_79] : memref<256x128xf32, #tpu.memory_space<vmem>> -> memref<128x128xf32, #tpu.memory_space<vmem>>
        %dma_wait3A_81 = arith.constant 0 : i32
        %dma_wait3A_82 = tpu.memref_slice %arg10[%add3A_66, %dma_wait3A_81] : memref<10112x128xf32, #tpu.memory_space<vmem_shared>> -> memref<128x128xf32, #tpu.memory_space<vmem_shared>>
        %dma_wait3A_83 = arith.constant 0 : i32
        %dma_wait3A_84 = tpu.memref_slice %arg10[%add3A_66, %dma_wait3A_83] : memref<10112x128xf32, #tpu.memory_space<vmem_shared>> -> memref<128x128xf32, #tpu.memory_space<vmem_shared>>
        %dma_wait3A_85 = arith.constant 0 : i32
        %dma_wait3A_86 = arith.constant 0 : i32
        %dma_wait3A_87 = tpu.memref_slice %arg9[%dma_wait3A_85, %dma_wait3A_86] : memref<256x128xf32, #tpu.memory_space<vmem>> -> memref<128x128xf32, #tpu.memory_space<vmem>>
        tpu.wait_dma2 semaphore(%run_scoped3A_67 : memref<!tpu.dma_semaphore, #tpu.memory_space<semaphore_mem>>) src(%dma_wait3A_87 : memref<128x128xf32, #tpu.memory_space<vmem>>) dst(%dma_wait3A_84 : memref<128x128xf32, #tpu.memory_space<vmem_shared>>)
        tpu.yield
      }) : () -> ()
    }
    %scan3A_11 = arith.constant 4 : i32
    %add3A_12 = arith.constant 512 : i32
    %add3A_13 = arith.addi %mul3A_6, %add3A_12 : i32
    "tpu.region"() ({
      %run_scoped3A_59 = tpu.sem_alloc : memref<!tpu.dma_semaphore, #tpu.memory_space<semaphore_mem>>
      %dma_start3A_60 = arith.constant 0 : i32
      %dma_start3A_61 = arith.constant 0 : i32
      %dma_start3A_62 = tpu.memref_slice %arg9[%dma_start3A_60, %dma_start3A_61] : memref<256x128xf32, #tpu.memory_space<vmem>> -> memref<120x128xf32, #tpu.memory_space<vmem>>
      %dma_start3A_63 = arith.constant 0 : i32
      %dma_start3A_64 = tpu.memref_slice %arg10[%add3A_13, %dma_start3A_63] : memref<10112x128xf32, #tpu.memory_space<vmem_shared>> -> memref<120x128xf32, #tpu.memory_space<vmem_shared>>
      %dma_start3A_65 = arith.constant 0 : i32
      %dma_start3A_66 = tpu.memref_slice %arg10[%add3A_13, %dma_start3A_65] : memref<10112x128xf32, #tpu.memory_space<vmem_shared>> -> memref<120x128xf32, #tpu.memory_space<vmem_shared>>
      %dma_start3A_67 = arith.constant 0 : i32
      %dma_start3A_68 = arith.constant 0 : i32
      %dma_start3A_69 = tpu.memref_slice %arg9[%dma_start3A_67, %dma_start3A_68] : memref<256x128xf32, #tpu.memory_space<vmem>> -> memref<120x128xf32, #tpu.memory_space<vmem>>
      tpu.enqueue_dma source(%dma_start3A_69 : memref<120x128xf32, #tpu.memory_space<vmem>>) target(%dma_start3A_66 : memref<120x128xf32, #tpu.memory_space<vmem_shared>>) target_semaphore(%run_scoped3A_59 : memref<!tpu.dma_semaphore, #tpu.memory_space<semaphore_mem>>)
      %dma_wait3A_70 = arith.constant 0 : i32
      %dma_wait3A_71 = arith.constant 0 : i32
      %dma_wait3A_72 = tpu.memref_slice %arg9[%dma_wait3A_70, %dma_wait3A_71] : memref<256x128xf32, #tpu.memory_space<vmem>> -> memref<120x128xf32, #tpu.memory_space<vmem>>
      %dma_wait3A_73 = arith.constant 0 : i32
      %dma_wait3A_74 = tpu.memref_slice %arg10[%add3A_13, %dma_wait3A_73] : memref<10112x128xf32, #tpu.memory_space<vmem_shared>> -> memref<120x128xf32, #tpu.memory_space<vmem_shared>>
      %dma_wait3A_75 = arith.constant 0 : i32
      %dma_wait3A_76 = tpu.memref_slice %arg10[%add3A_13, %dma_wait3A_75] : memref<10112x128xf32, #tpu.memory_space<vmem_shared>> -> memref<120x128xf32, #tpu.memory_space<vmem_shared>>
      %dma_wait3A_77 = arith.constant 0 : i32
      %dma_wait3A_78 = arith.constant 0 : i32
      %dma_wait3A_79 = tpu.memref_slice %arg9[%dma_wait3A_77, %dma_wait3A_78] : memref<256x128xf32, #tpu.memory_space<vmem>> -> memref<120x128xf32, #tpu.memory_space<vmem>>
      tpu.wait_dma2 semaphore(%run_scoped3A_59 : memref<!tpu.dma_semaphore, #tpu.memory_space<semaphore_mem>>) src(%dma_wait3A_79 : memref<120x128xf32, #tpu.memory_space<vmem>>) dst(%dma_wait3A_76 : memref<120x128xf32, #tpu.memory_space<vmem_shared>>)
      tpu.yield
    }) : () -> ()
    %barrier3A = arith.constant 0 : index
    tpu.barrier barrier_id(%barrier3A)
    %run_scoped3A = arith.constant 0 : i32
    "tpu.region"() ({
      %run_scoped3A_59 = tpu.sem_alloc : memref<!tpu.dma_semaphore, #tpu.memory_space<semaphore_mem>>
      %dma_start3A_60 = arith.constant 0 : i32
      %dma_start3A_61 = arith.constant 0 : i32
      %dma_start3A_62 = tpu.memref_slice %arg6[%dma_start3A_60, %dma_start3A_61] : memref<6x128xi32, #tpu.memory_space<vmem>> -> memref<3x128xi32, #tpu.memory_space<vmem>>
      %dma_start3A_63 = arith.constant 0 : i32
      %dma_start3A_64 = arith.constant 0 : i32
      %dma_start3A_65 = tpu.memref_slice %arg2[%add3A, %run_scoped3A, %dma_start3A_63, %dma_start3A_64] : memref<32x79x3x128xi32, #tpu.memory_space<hbm>> -> memref<1x1x3x128xi32, #tpu.memory_space<hbm>>
      %dma_start3A_66 = tpu.memref_squeeze %dma_start3A_65 : memref<1x1x3x128xi32, #tpu.memory_space<hbm>> -> memref<3x128xi32, #tpu.memory_space<hbm>>
      %dma_start3A_67 = arith.constant 0 : i32
      %dma_start3A_68 = arith.constant 0 : i32
      %dma_start3A_69 = tpu.memref_slice %arg6[%dma_start3A_67, %dma_start3A_68] : memref<6x128xi32, #tpu.memory_space<vmem>> -> memref<3x128xi32, #tpu.memory_space<vmem>>
      %dma_start3A_70 = arith.constant 0 : i32
      %dma_start3A_71 = arith.constant 0 : i32
      %dma_start3A_72 = tpu.memref_slice %arg2[%add3A, %run_scoped3A, %dma_start3A_70, %dma_start3A_71] : memref<32x79x3x128xi32, #tpu.memory_space<hbm>> -> memref<1x1x3x128xi32, #tpu.memory_space<hbm>>
      %dma_start3A_73 = tpu.memref_squeeze %dma_start3A_72 : memref<1x1x3x128xi32, #tpu.memory_space<hbm>> -> memref<3x128xi32, #tpu.memory_space<hbm>>
      tpu.enqueue_dma source(%dma_start3A_73 : memref<3x128xi32, #tpu.memory_space<hbm>>) target(%dma_start3A_69 : memref<3x128xi32, #tpu.memory_space<vmem>>) target_semaphore(%run_scoped3A_59 : memref<!tpu.dma_semaphore, #tpu.memory_space<semaphore_mem>>)
      %dma_wait3A_74 = arith.constant 0 : i32
      %dma_wait3A_75 = arith.constant 0 : i32
      %dma_wait3A_76 = tpu.memref_slice %arg6[%dma_wait3A_74, %dma_wait3A_75] : memref<6x128xi32, #tpu.memory_space<vmem>> -> memref<3x128xi32, #tpu.memory_space<vmem>>
      %dma_wait3A_77 = arith.constant 0 : i32
      %dma_wait3A_78 = arith.constant 0 : i32
      %dma_wait3A_79 = tpu.memref_slice %arg2[%add3A, %run_scoped3A, %dma_wait3A_77, %dma_wait3A_78] : memref<32x79x3x128xi32, #tpu.memory_space<hbm>> -> memref<1x1x3x128xi32, #tpu.memory_space<hbm>>
      %dma_wait3A_80 = tpu.memref_squeeze %dma_wait3A_79 : memref<1x1x3x128xi32, #tpu.memory_space<hbm>> -> memref<3x128xi32, #tpu.memory_space<hbm>>
      %dma_wait3A_81 = arith.constant 0 : i32
      %dma_wait3A_82 = arith.constant 0 : i32
      %dma_wait3A_83 = tpu.memref_slice %arg6[%dma_wait3A_81, %dma_wait3A_82] : memref<6x128xi32, #tpu.memory_space<vmem>> -> memref<3x128xi32, #tpu.memory_space<vmem>>
      %dma_wait3A_84 = arith.constant 0 : i32
      %dma_wait3A_85 = arith.constant 0 : i32
      %dma_wait3A_86 = tpu.memref_slice %arg2[%add3A, %run_scoped3A, %dma_wait3A_84, %dma_wait3A_85] : memref<32x79x3x128xi32, #tpu.memory_space<hbm>> -> memref<1x1x3x128xi32, #tpu.memory_space<hbm>>
      %dma_wait3A_87 = tpu.memref_squeeze %dma_wait3A_86 : memref<1x1x3x128xi32, #tpu.memory_space<hbm>> -> memref<3x128xi32, #tpu.memory_space<hbm>>
      tpu.wait_dma2 semaphore(%run_scoped3A_59 : memref<!tpu.dma_semaphore, #tpu.memory_space<semaphore_mem>>) src(%dma_wait3A_87 : memref<3x128xi32, #tpu.memory_space<hbm>>) dst(%dma_wait3A_83 : memref<3x128xi32, #tpu.memory_space<vmem>>)
      tpu.yield
    }) : () -> ()
    %scan3A_14 = arith.constant 0 : i32
    %scan3A_15 = arith.constant 8 : i32
    %scan3A_16 = arith.addi %scan3A_14, %scan3A_15 : i32
    %scan3A_17 = arith.constant 1 : i32
    scf.for %scan3A_59 = %scan3A_14 to %scan3A_16 step %scan3A_17  : i32 {
      %mul3A_60 = arith.constant 1 : i32
      %mul3A_61 = arith.muli %scan3A_59, %mul3A_60 : i32
      %add3A_62 = arith.constant 0 : i32
      %add3A_63 = arith.addi %add3A_62, %mul3A_61 : i32
      %mul3A_64 = arith.constant 16 : i32
      %mul3A_65 = arith.muli %add3A_63, %mul3A_64 : i32
      %get3A = arith.constant 0 : i32
      %get3A_66 = arith.index_cast %get3A : i32 to index
      %get3A_67 = arith.index_cast %mul3A_65 : i32 to index
      %get3A_68 = tpu.vector_load %arg6[%get3A_66, %get3A_67] {strides = array<i32>} : memref<6x128xi32, #tpu.memory_space<vmem>>, vector<16xi32>,
      %get3A_69 = arith.constant 1 : i32
      %get3A_70 = arith.index_cast %get3A_69 : i32 to index
      %get3A_71 = arith.index_cast %mul3A_65 : i32 to index
      %get3A_72 = tpu.vector_load %arg6[%get3A_70, %get3A_71] {strides = array<i32>} : memref<6x128xi32, #tpu.memory_space<vmem>>, vector<16xi32>,
      %get3A_73 = arith.constant 2 : i32
      %get3A_74 = arith.index_cast %get3A_73 : i32 to index
      %get3A_75 = arith.index_cast %mul3A_65 : i32 to index
      %get3A_76 = tpu.vector_load %arg6[%get3A_74, %get3A_75] {strides = array<i32>} : memref<6x128xi32, #tpu.memory_space<vmem>>, vector<16xi32>,
      %shift_right_arithmetic3A = arith.constant 2 : i32
      %shift_right_arithmetic3A_77 = vector.broadcast %shift_right_arithmetic3A : i32 to vector<16xi32>
      %shift_right_arithmetic3A_78 = arith.shrsi %get3A_68, %shift_right_arithmetic3A_77 : vector<16xi32>
      %gather3A = tpu.vector_load_idx %arg7[%shift_right_arithmetic3A_78] : memref<2528xi32, #tpu.memory_space<vmem>>[vector<16xi32>], vector<16xi32>,
      %shift_right_arithmetic3A_79 = arith.constant 2 : i32
      %shift_right_arithmetic3A_80 = vector.broadcast %shift_right_arithmetic3A_79 : i32 to vector<16xi32>
      %shift_right_arithmetic3A_81 = arith.shrsi %get3A_72, %shift_right_arithmetic3A_80 : vector<16xi32>
      %gather3A_82 = tpu.vector_load_idx %arg7[%shift_right_arithmetic3A_81] : memref<2528xi32, #tpu.memory_space<vmem>>[vector<16xi32>], vector<16xi32>,
      %and3A = arith.constant 3 : i32
      %and3A_83 = vector.broadcast %and3A : i32 to vector<16xi32>
      %and3A_84 = arith.andi %get3A_68, %and3A_83 : vector<16xi32>
      %mul3A_85 = arith.constant 8 : i32
      %mul3A_86 = vector.broadcast %mul3A_85 : i32 to vector<16xi32>
      %mul3A_87 = arith.muli %and3A_84, %mul3A_86 : vector<16xi32>
      %shift_right_arithmetic3A_88 = arith.shrsi %gather3A, %mul3A_87 : vector<16xi32>
      %and3A_89 = arith.constant 3 : i32
      %and3A_90 = vector.broadcast %and3A_89 : i32 to vector<16xi32>
      %and3A_91 = arith.andi %shift_right_arithmetic3A_88, %and3A_90 : vector<16xi32>
      %and3A_92 = arith.constant 3 : i32
      %and3A_93 = vector.broadcast %and3A_92 : i32 to vector<16xi32>
      %and3A_94 = arith.andi %get3A_72, %and3A_93 : vector<16xi32>
      %mul3A_95 = arith.constant 8 : i32
      %mul3A_96 = vector.broadcast %mul3A_95 : i32 to vector<16xi32>
      %mul3A_97 = arith.muli %and3A_94, %mul3A_96 : vector<16xi32>
      %shift_right_arithmetic3A_98 = arith.shrsi %gather3A_82, %mul3A_97 : vector<16xi32>
      %and3A_99 = arith.constant 3 : i32
      %and3A_100 = vector.broadcast %and3A_99 : i32 to vector<16xi32>
      %and3A_101 = arith.andi %shift_right_arithmetic3A_98, %and3A_100 : vector<16xi32>
      %mul3A_102 = arith.constant 16 : i32
      %mul3A_103 = vector.broadcast %mul3A_102 : i32 to vector<16xi32>
      %mul3A_104 = arith.muli %get3A_68, %mul3A_103 : vector<16xi32>
      %mul3A_105 = arith.constant 8 : i32
      %mul3A_106 = vector.broadcast %mul3A_105 : i32 to vector<16xi32>
      %mul3A_107 = arith.muli %and3A_91, %mul3A_106 : vector<16xi32>
      %add3A_108 = arith.addi %mul3A_104, %mul3A_107 : vector<16xi32>
      %mul3A_109 = arith.constant 4 : i32
      %mul3A_110 = vector.broadcast %mul3A_109 : i32 to vector<16xi32>
      %mul3A_111 = arith.muli %and3A_101, %mul3A_110 : vector<16xi32>
      %add3A_112 = arith.addi %add3A_108, %mul3A_111 : vector<16xi32>
      %add3A_113 = arith.addi %add3A_112, %get3A_76 : vector<16xi32>
      %swap3A = arith.constant 0 : i32
      %swap3A_114 = arith.index_cast %swap3A : i32 to index
      %swap3A_115 = arith.index_cast %mul3A_65 : i32 to index
      %swap3A_116 = tpu.vector_load %arg8[%swap3A_114, %swap3A_115] {strides = array<i32>} : memref<2x128xi32, #tpu.memory_space<vmem>>, vector<16xi32>,
      tpu.vector_store %arg8[%swap3A_114, %swap3A_115], %add3A_113 {strides = array<i32>} : memref<2x128xi32, #tpu.memory_space<vmem>>, vector<16xi32>,
    }
    %scan3A_18 = arith.constant 8 : i32
    %dma_start3A = arith.constant 0 : i32
    %dma_start3A_19 = arith.constant 0 : i32
    %dma_start3A_20 = arith.constant 0 : i32
    %dma_start3A_21 = tpu.memref_slice %arg9[%dma_start3A_19, %dma_start3A_20] : memref<256x128xf32, #tpu.memory_space<vmem>> -> memref<128x128xf32, #tpu.memory_space<vmem>>
    %dma_start3A_22 = arith.constant 0 : i32
    %dma_start3A_23 = tpu.memref_slice %arg8[%dma_start3A, %dma_start3A_22] : memref<2x128xi32, #tpu.memory_space<vmem>> -> memref<1x128xi32, #tpu.memory_space<vmem>>
    %dma_start3A_24 = tpu.memref_squeeze %dma_start3A_23 : memref<1x128xi32, #tpu.memory_space<vmem>> -> memref<128xi32, #tpu.memory_space<vmem>>
    %dma_start3A_25 = arith.constant 0 : i32
    %dma_start3A_26 = arith.constant 0 : i32
    %dma_start3A_27 = tpu.memref_slice %arg4[%dma_start3A_25, %dma_start3A_26] : memref<160000x128xf32, #tpu.memory_space<hbm>> -> memref<160000x128xf32, #tpu.memory_space<hbm>>
    tpu.enqueue_indirect_dma source(%dma_start3A_27 : memref<160000x128xf32, #tpu.memory_space<hbm>>) target(%dma_start3A_21 : memref<128x128xf32, #tpu.memory_space<vmem>>) offsets(%dma_start3A_24 : memref<128xi32, #tpu.memory_space<vmem>>) semaphore(%arg12 : memref<!tpu.dma_semaphore, #tpu.memory_space<semaphore_mem>>)
    %dma_start3A_28 = arith.constant 1 : i32
    %dma_start3A_29 = arith.constant 3 : i32
    %dma_start3A_30 = arith.constant 0 : i32
    %dma_start3A_31 = tpu.memref_slice %arg6[%dma_start3A_29, %dma_start3A_30] : memref<6x128xi32, #tpu.memory_space<vmem>> -> memref<3x128xi32, #tpu.memory_space<vmem>>
    %dma_start3A_32 = arith.constant 0 : i32
    %dma_start3A_33 = arith.constant 0 : i32
    %dma_start3A_34 = tpu.memref_slice %arg2[%add3A, %dma_start3A_28, %dma_start3A_32, %dma_start3A_33] : memref<32x79x3x128xi32, #tpu.memory_space<hbm>> -> memref<1x1x3x128xi32, #tpu.memory_space<hbm>>
    %dma_start3A_35 = tpu.memref_squeeze %dma_start3A_34 : memref<1x1x3x128xi32, #tpu.memory_space<hbm>> -> memref<3x128xi32, #tpu.memory_space<hbm>>
    %dma_start3A_36 = arith.constant 3 : i32
    %dma_start3A_37 = arith.constant 0 : i32
    %dma_start3A_38 = tpu.memref_slice %arg6[%dma_start3A_36, %dma_start3A_37] : memref<6x128xi32, #tpu.memory_space<vmem>> -> memref<3x128xi32, #tpu.memory_space<vmem>>
    %dma_start3A_39 = arith.constant 0 : i32
    %dma_start3A_40 = arith.constant 0 : i32
    %dma_start3A_41 = tpu.memref_slice %arg2[%add3A, %dma_start3A_28, %dma_start3A_39, %dma_start3A_40] : memref<32x79x3x128xi32, #tpu.memory_space<hbm>> -> memref<1x1x3x128xi32, #tpu.memory_space<hbm>>
    %dma_start3A_42 = tpu.memref_squeeze %dma_start3A_41 : memref<1x1x3x128xi32, #tpu.memory_space<hbm>> -> memref<3x128xi32, #tpu.memory_space<hbm>>
    tpu.enqueue_dma source(%dma_start3A_42 : memref<3x128xi32, #tpu.memory_space<hbm>>) target(%dma_start3A_38 : memref<3x128xi32, #tpu.memory_space<vmem>>) target_semaphore(%arg11 : memref<!tpu.dma_semaphore, #tpu.memory_space<semaphore_mem>>)
    %scan3A_43 = arith.constant 0 : i32
    %scan3A_44 = arith.constant 78 : i32
    %scan3A_45 = arith.addi %scan3A_43, %scan3A_44 : i32
    %scan3A_46 = arith.constant 1 : i32
    scf.for %scan3A_59 = %scan3A_43 to %scan3A_45 step %scan3A_46  : i32 {
      %mul3A_60 = arith.constant 1 : i32
      %mul3A_61 = arith.muli %scan3A_59, %mul3A_60 : i32
      %add3A_62 = arith.constant 0 : i32
      %add3A_63 = arith.addi %add3A_62, %mul3A_61 : i32
      %rem3A = arith.constant 2 : i32
      %rem3A_64 = arith.remsi %add3A_63, %rem3A : i32
      %sub3A = arith.constant 1 : i32
      %sub3A_65 = arith.subi %sub3A, %rem3A_64 : i32
      %add3A_66 = arith.constant 1 : i32
      %add3A_67 = arith.addi %add3A_63, %add3A_66 : i32
      %mul3A_68 = arith.constant 3 : i32
      %mul3A_69 = arith.muli %sub3A_65, %mul3A_68 : i32
      %dma_wait3A_70 = arith.constant 0 : i32
      %dma_wait3A_71 = tpu.memref_slice %arg6[%mul3A_69, %dma_wait3A_70] : memref<6x128xi32, #tpu.memory_space<vmem>> -> memref<3x128xi32, #tpu.memory_space<vmem>>
      %dma_wait3A_72 = arith.constant 0 : i32
      %dma_wait3A_73 = arith.constant 0 : i32
      %dma_wait3A_74 = tpu.memref_slice %arg2[%add3A, %add3A_67, %dma_wait3A_72, %dma_wait3A_73] : memref<32x79x3x128xi32, #tpu.memory_space<hbm>> -> memref<1x1x3x128xi32, #tpu.memory_space<hbm>>
      %dma_wait3A_75 = tpu.memref_squeeze %dma_wait3A_74 : memref<1x1x3x128xi32, #tpu.memory_space<hbm>> -> memref<3x128xi32, #tpu.memory_space<hbm>>
      %dma_wait3A_76 = arith.constant 0 : i32
      %dma_wait3A_77 = tpu.memref_slice %arg6[%mul3A_69, %dma_wait3A_76] : memref<6x128xi32, #tpu.memory_space<vmem>> -> memref<3x128xi32, #tpu.memory_space<vmem>>
      %dma_wait3A_78 = arith.constant 0 : i32
      %dma_wait3A_79 = arith.constant 0 : i32
      %dma_wait3A_80 = tpu.memref_slice %arg2[%add3A, %add3A_67, %dma_wait3A_78, %dma_wait3A_79] : memref<32x79x3x128xi32, #tpu.memory_space<hbm>> -> memref<1x1x3x128xi32, #tpu.memory_space<hbm>>
      %dma_wait3A_81 = tpu.memref_squeeze %dma_wait3A_80 : memref<1x1x3x128xi32, #tpu.memory_space<hbm>> -> memref<3x128xi32, #tpu.memory_space<hbm>>
      tpu.wait_dma2 semaphore(%arg11 : memref<!tpu.dma_semaphore, #tpu.memory_space<semaphore_mem>>) src(%dma_wait3A_81 : memref<3x128xi32, #tpu.memory_space<hbm>>) dst(%dma_wait3A_77 : memref<3x128xi32, #tpu.memory_space<vmem>>)
      %scan3A_82 = arith.constant 0 : i32
      %scan3A_83 = arith.constant 8 : i32
      %scan3A_84 = arith.addi %scan3A_82, %scan3A_83 : i32
      %scan3A_85 = arith.constant 1 : i32
      scf.for %scan3A_115 = %scan3A_82 to %scan3A_84 step %scan3A_85  : i32 {
        %mul3A_116 = arith.constant 1 : i32
        %mul3A_117 = arith.muli %scan3A_115, %mul3A_116 : i32
        %add3A_118 = arith.constant 0 : i32
        %add3A_119 = arith.addi %add3A_118, %mul3A_117 : i32
        %mul3A_120 = arith.constant 16 : i32
        %mul3A_121 = arith.muli %add3A_119, %mul3A_120 : i32
        %mul3A_122 = arith.constant 3 : i32
        %mul3A_123 = arith.muli %sub3A_65, %mul3A_122 : i32
        %add3A_124 = arith.constant 0 : i32
        %add3A_125 = arith.addi %mul3A_123, %add3A_124 : i32
        %get3A = arith.index_cast %add3A_125 : i32 to index
        %get3A_126 = arith.index_cast %mul3A_121 : i32 to index
        %get3A_127 = tpu.vector_load %arg6[%get3A, %get3A_126] {strides = array<i32>} : memref<6x128xi32, #tpu.memory_space<vmem>>, vector<16xi32>,
        %mul3A_128 = arith.constant 3 : i32
        %mul3A_129 = arith.muli %sub3A_65, %mul3A_128 : i32
        %add3A_130 = arith.constant 1 : i32
        %add3A_131 = arith.addi %mul3A_129, %add3A_130 : i32
        %get3A_132 = arith.index_cast %add3A_131 : i32 to index
        %get3A_133 = arith.index_cast %mul3A_121 : i32 to index
        %get3A_134 = tpu.vector_load %arg6[%get3A_132, %get3A_133] {strides = array<i32>} : memref<6x128xi32, #tpu.memory_space<vmem>>, vector<16xi32>,
        %mul3A_135 = arith.constant 3 : i32
        %mul3A_136 = arith.muli %sub3A_65, %mul3A_135 : i32
        %add3A_137 = arith.constant 2 : i32
        %add3A_138 = arith.addi %mul3A_136, %add3A_137 : i32
        %get3A_139 = arith.index_cast %add3A_138 : i32 to index
        %get3A_140 = arith.index_cast %mul3A_121 : i32 to index
        %get3A_141 = tpu.vector_load %arg6[%get3A_139, %get3A_140] {strides = array<i32>} : memref<6x128xi32, #tpu.memory_space<vmem>>, vector<16xi32>,
        %shift_right_arithmetic3A = arith.constant 2 : i32
        %shift_right_arithmetic3A_142 = vector.broadcast %shift_right_arithmetic3A : i32 to vector<16xi32>
        %shift_right_arithmetic3A_143 = arith.shrsi %get3A_127, %shift_right_arithmetic3A_142 : vector<16xi32>
        %gather3A = tpu.vector_load_idx %arg7[%shift_right_arithmetic3A_143] : memref<2528xi32, #tpu.memory_space<vmem>>[vector<16xi32>], vector<16xi32>,
        %shift_right_arithmetic3A_144 = arith.constant 2 : i32
        %shift_right_arithmetic3A_145 = vector.broadcast %shift_right_arithmetic3A_144 : i32 to vector<16xi32>
        %shift_right_arithmetic3A_146 = arith.shrsi %get3A_134, %shift_right_arithmetic3A_145 : vector<16xi32>
        %gather3A_147 = tpu.vector_load_idx %arg7[%shift_right_arithmetic3A_146] : memref<2528xi32, #tpu.memory_space<vmem>>[vector<16xi32>], vector<16xi32>,
        %and3A = arith.constant 3 : i32
        %and3A_148 = vector.broadcast %and3A : i32 to vector<16xi32>
        %and3A_149 = arith.andi %get3A_127, %and3A_148 : vector<16xi32>
        %mul3A_150 = arith.constant 8 : i32
        %mul3A_151 = vector.broadcast %mul3A_150 : i32 to vector<16xi32>
        %mul3A_152 = arith.muli %and3A_149, %mul3A_151 : vector<16xi32>
        %shift_right_arithmetic3A_153 = arith.shrsi %gather3A, %mul3A_152 : vector<16xi32>
        %and3A_154 = arith.constant 3 : i32
        %and3A_155 = vector.broadcast %and3A_154 : i32 to vector<16xi32>
        %and3A_156 = arith.andi %shift_right_arithmetic3A_153, %and3A_155 : vector<16xi32>
        %and3A_157 = arith.constant 3 : i32
        %and3A_158 = vector.broadcast %and3A_157 : i32 to vector<16xi32>
        %and3A_159 = arith.andi %get3A_134, %and3A_158 : vector<16xi32>
        %mul3A_160 = arith.constant 8 : i32
        %mul3A_161 = vector.broadcast %mul3A_160 : i32 to vector<16xi32>
        %mul3A_162 = arith.muli %and3A_159, %mul3A_161 : vector<16xi32>
        %shift_right_arithmetic3A_163 = arith.shrsi %gather3A_147, %mul3A_162 : vector<16xi32>
        %and3A_164 = arith.constant 3 : i32
        %and3A_165 = vector.broadcast %and3A_164 : i32 to vector<16xi32>
        %and3A_166 = arith.andi %shift_right_arithmetic3A_163, %and3A_165 : vector<16xi32>
        %mul3A_167 = arith.constant 16 : i32
        %mul3A_168 = vector.broadcast %mul3A_167 : i32 to vector<16xi32>
        %mul3A_169 = arith.muli %get3A_127, %mul3A_168 : vector<16xi32>
        %mul3A_170 = arith.constant 8 : i32
        %mul3A_171 = vector.broadcast %mul3A_170 : i32 to vector<16xi32>
        %mul3A_172 = arith.muli %and3A_156, %mul3A_171 : vector<16xi32>
        %add3A_173 = arith.addi %mul3A_169, %mul3A_172 : vector<16xi32>
        %mul3A_174 = arith.constant 4 : i32
        %mul3A_175 = vector.broadcast %mul3A_174 : i32 to vector<16xi32>
        %mul3A_176 = arith.muli %and3A_166, %mul3A_175 : vector<16xi32>
        %add3A_177 = arith.addi %add3A_173, %mul3A_176 : vector<16xi32>
        %add3A_178 = arith.addi %add3A_177, %get3A_141 : vector<16xi32>
        %swap3A = arith.index_cast %sub3A_65 : i32 to index
        %swap3A_179 = arith.index_cast %mul3A_121 : i32 to index
        %swap3A_180 = tpu.vector_load %arg8[%swap3A, %swap3A_179] {strides = array<i32>} : memref<2x128xi32, #tpu.memory_space<vmem>>, vector<16xi32>,
        tpu.vector_store %arg8[%swap3A, %swap3A_179], %add3A_178 {strides = array<i32>} : memref<2x128xi32, #tpu.memory_space<vmem>>, vector<16xi32>,
      }
      %scan3A_86 = arith.constant 8 : i32
      %mul3A_87 = arith.constant 128 : i32
      %mul3A_88 = arith.muli %rem3A_64, %mul3A_87 : i32
      %dma_wait3A_89 = arith.constant 0 : i32
      %dma_wait3A_90 = tpu.memref_slice %arg9[%mul3A_88, %dma_wait3A_89] : memref<256x128xf32, #tpu.memory_space<vmem>> -> memref<128x128xf32, #tpu.memory_space<vmem>>
      %dma_wait3A_91 = arith.constant 0 : i32
      %dma_wait3A_92 = tpu.memref_slice %arg8[%rem3A_64, %dma_wait3A_91] : memref<2x128xi32, #tpu.memory_space<vmem>> -> memref<1x128xi32, #tpu.memory_space<vmem>>
      %dma_wait3A_93 = tpu.memref_squeeze %dma_wait3A_92 : memref<1x128xi32, #tpu.memory_space<vmem>> -> memref<128xi32, #tpu.memory_space<vmem>>
      %dma_wait3A_94 = arith.constant 0 : i32
      %dma_wait3A_95 = arith.constant 0 : i32
      %dma_wait3A_96 = tpu.memref_slice %arg4[%dma_wait3A_94, %dma_wait3A_95] : memref<160000x128xf32, #tpu.memory_space<hbm>> -> memref<160000x128xf32, #tpu.memory_space<hbm>>
      tpu.wait_indirect_dma semaphore(%arg12 : memref<!tpu.dma_semaphore, #tpu.memory_space<semaphore_mem>>) src(%dma_wait3A_96 : memref<160000x128xf32, #tpu.memory_space<hbm>>) dst(%dma_wait3A_90 : memref<128x128xf32, #tpu.memory_space<vmem>>)
      %mul3A_97 = arith.constant 128 : i32
      %mul3A_98 = arith.muli %sub3A_65, %mul3A_97 : i32
      %dma_start3A_99 = arith.constant 0 : i32
      %dma_start3A_100 = tpu.memref_slice %arg9[%mul3A_98, %dma_start3A_99] : memref<256x128xf32, #tpu.memory_space<vmem>> -> memref<128x128xf32, #tpu.memory_space<vmem>>
      %dma_start3A_101 = arith.constant 0 : i32
      %dma_start3A_102 = tpu.memref_slice %arg8[%sub3A_65, %dma_start3A_101] : memref<2x128xi32, #tpu.memory_space<vmem>> -> memref<1x128xi32, #tpu.memory_space<vmem>>
      %dma_start3A_103 = tpu.memref_squeeze %dma_start3A_102 : memref<1x128xi32, #tpu.memory_space<vmem>> -> memref<128xi32, #tpu.memory_space<vmem>>
      %dma_start3A_104 = arith.constant 0 : i32
      %dma_start3A_105 = arith.constant 0 : i32
      %dma_start3A_106 = tpu.memref_slice %arg4[%dma_start3A_104, %dma_start3A_105] : memref<160000x128xf32, #tpu.memory_space<hbm>> -> memref<160000x128xf32, #tpu.memory_space<hbm>>
      tpu.enqueue_indirect_dma source(%dma_start3A_106 : memref<160000x128xf32, #tpu.memory_space<hbm>>) target(%dma_start3A_100 : memref<128x128xf32, #tpu.memory_space<vmem>>) offsets(%dma_start3A_103 : memref<128xi32, #tpu.memory_space<vmem>>) semaphore(%arg12 : memref<!tpu.dma_semaphore, #tpu.memory_space<semaphore_mem>>)
      %mul3A_107 = arith.constant 128 : i32
      %mul3A_108 = arith.muli %rem3A_64, %mul3A_107 : i32
      %mul3A_109 = arith.constant 3 : i32
      %mul3A_110 = arith.muli %rem3A_64, %mul3A_109 : i32
      %add3A_111 = arith.constant 1 : i32
      %add3A_112 = arith.addi %mul3A_110, %add3A_111 : i32
      "tpu.region"() ({
        %run_scoped3A_115 = tpu.sem_alloc : memref<!tpu.dma_semaphore, #tpu.memory_space<semaphore_mem>>
        %dma_start3A_116 = arith.constant 0 : i32
        %dma_start3A_117 = tpu.memref_slice %arg9[%mul3A_108, %dma_start3A_116] : memref<256x128xf32, #tpu.memory_space<vmem>> -> memref<128x128xf32, #tpu.memory_space<vmem>>
        %dma_start3A_118 = arith.constant 0 : i32
        %dma_start3A_119 = tpu.memref_slice %arg6[%add3A_112, %dma_start3A_118] : memref<6x128xi32, #tpu.memory_space<vmem>> -> memref<1x128xi32, #tpu.memory_space<vmem>>
        %dma_start3A_120 = tpu.memref_squeeze %dma_start3A_119 : memref<1x128xi32, #tpu.memory_space<vmem>> -> memref<128xi32, #tpu.memory_space<vmem>>
        %dma_start3A_121 = arith.constant 0 : i32
        %dma_start3A_122 = arith.constant 0 : i32
        %dma_start3A_123 = tpu.memref_slice %arg10[%dma_start3A_121, %dma_start3A_122] : memref<10112x128xf32, #tpu.memory_space<vmem_shared>> -> memref<10112x128xf32, #tpu.memory_space<vmem_shared>>
        tpu.enqueue_indirect_dma source(%dma_start3A_117 : memref<128x128xf32, #tpu.memory_space<vmem>>) target(%dma_start3A_123 : memref<10112x128xf32, #tpu.memory_space<vmem_shared>>) offsets(%dma_start3A_120 : memref<128xi32, #tpu.memory_space<vmem>>) semaphore(%run_scoped3A_115 : memref<!tpu.dma_semaphore, #tpu.memory_space<semaphore_mem>>) {add = true}
        %dma_wait3A_124 = arith.constant 0 : i32
        %dma_wait3A_125 = tpu.memref_slice %arg9[%mul3A_108, %dma_wait3A_124] : memref<256x128xf32, #tpu.memory_space<vmem>> -> memref<128x128xf32, #tpu.memory_space<vmem>>
        %dma_wait3A_126 = arith.constant 0 : i32
        %dma_wait3A_127 = tpu.memref_slice %arg6[%add3A_112, %dma_wait3A_126] : memref<6x128xi32, #tpu.memory_space<vmem>> -> memref<1x128xi32, #tpu.memory_space<vmem>>
        %dma_wait3A_128 = tpu.memref_squeeze %dma_wait3A_127 : memref<1x128xi32, #tpu.memory_space<vmem>> -> memref<128xi32, #tpu.memory_space<vmem>>
        %dma_wait3A_129 = arith.constant 0 : i32
        %dma_wait3A_130 = arith.constant 0 : i32
        %dma_wait3A_131 = tpu.memref_slice %arg10[%dma_wait3A_129, %dma_wait3A_130] : memref<10112x128xf32, #tpu.memory_space<vmem_shared>> -> memref<10112x128xf32, #tpu.memory_space<vmem_shared>>
        tpu.wait_indirect_dma semaphore(%run_scoped3A_115 : memref<!tpu.dma_semaphore, #tpu.memory_space<semaphore_mem>>) src(%dma_wait3A_125 : memref<128x128xf32, #tpu.memory_space<vmem>>) dst(%dma_wait3A_131 : memref<10112x128xf32, #tpu.memory_space<vmem_shared>>)
        tpu.yield
      }) : () -> ()
      %lt3A = arith.constant 78 : i32
      %lt3A_113 = arith.cmpi slt, %add3A_67, %lt3A : i32
      %convert_element_type3A = arith.extui %lt3A_113 : i1 to i32
      %cond3A = arith.constant 0 : i32
      %cond3A_114 = arith.cmpi ne, %convert_element_type3A, %cond3A : i32
      scf.if %cond3A_114 {
        %add3A_115 = arith.constant 2 : i32
        %add3A_116 = arith.addi %add3A_63, %add3A_115 : i32
        %mul3A_117 = arith.constant 3 : i32
        %mul3A_118 = arith.muli %rem3A_64, %mul3A_117 : i32
        %dma_start3A_119 = arith.constant 0 : i32
        %dma_start3A_120 = tpu.memref_slice %arg6[%mul3A_118, %dma_start3A_119] : memref<6x128xi32, #tpu.memory_space<vmem>> -> memref<3x128xi32, #tpu.memory_space<vmem>>
        %dma_start3A_121 = arith.constant 0 : i32
        %dma_start3A_122 = arith.constant 0 : i32
        %dma_start3A_123 = tpu.memref_slice %arg2[%add3A, %add3A_116, %dma_start3A_121, %dma_start3A_122] : memref<32x79x3x128xi32, #tpu.memory_space<hbm>> -> memref<1x1x3x128xi32, #tpu.memory_space<hbm>>
        %dma_start3A_124 = tpu.memref_squeeze %dma_start3A_123 : memref<1x1x3x128xi32, #tpu.memory_space<hbm>> -> memref<3x128xi32, #tpu.memory_space<hbm>>
        %dma_start3A_125 = arith.constant 0 : i32
        %dma_start3A_126 = tpu.memref_slice %arg6[%mul3A_118, %dma_start3A_125] : memref<6x128xi32, #tpu.memory_space<vmem>> -> memref<3x128xi32, #tpu.memory_space<vmem>>
        %dma_start3A_127 = arith.constant 0 : i32
        %dma_start3A_128 = arith.constant 0 : i32
        %dma_start3A_129 = tpu.memref_slice %arg2[%add3A, %add3A_116, %dma_start3A_127, %dma_start3A_128] : memref<32x79x3x128xi32, #tpu.memory_space<hbm>> -> memref<1x1x3x128xi32, #tpu.memory_space<hbm>>
        %dma_start3A_130 = tpu.memref_squeeze %dma_start3A_129 : memref<1x1x3x128xi32, #tpu.memory_space<hbm>> -> memref<3x128xi32, #tpu.memory_space<hbm>>
        tpu.enqueue_dma source(%dma_start3A_130 : memref<3x128xi32, #tpu.memory_space<hbm>>) target(%dma_start3A_126 : memref<3x128xi32, #tpu.memory_space<vmem>>) target_semaphore(%arg11 : memref<!tpu.dma_semaphore, #tpu.memory_space<semaphore_mem>>)
      } else {
      }
    }
    %scan3A_47 = arith.constant 78 : i32
    %dma_wait3A = arith.constant 0 : i32
    %dma_wait3A_48 = arith.constant 0 : i32
    %dma_wait3A_49 = arith.constant 0 : i32
    %dma_wait3A_50 = tpu.memref_slice %arg9[%dma_wait3A_48, %dma_wait3A_49] : memref<256x128xf32, #tpu.memory_space<vmem>> -> memref<128x128xf32, #tpu.memory_space<vmem>>
    %dma_wait3A_51 = arith.constant 0 : i32
    %dma_wait3A_52 = tpu.memref_slice %arg8[%dma_wait3A, %dma_wait3A_51] : memref<2x128xi32, #tpu.memory_space<vmem>> -> memref<1x128xi32, #tpu.memory_space<vmem>>
    %dma_wait3A_53 = tpu.memref_squeeze %dma_wait3A_52 : memref<1x128xi32, #tpu.memory_space<vmem>> -> memref<128xi32, #tpu.memory_space<vmem>>
    %dma_wait3A_54 = arith.constant 0 : i32
    %dma_wait3A_55 = arith.constant 0 : i32
    %dma_wait3A_56 = tpu.memref_slice %arg4[%dma_wait3A_54, %dma_wait3A_55] : memref<160000x128xf32, #tpu.memory_space<hbm>> -> memref<160000x128xf32, #tpu.memory_space<hbm>>
    tpu.wait_indirect_dma semaphore(%arg12 : memref<!tpu.dma_semaphore, #tpu.memory_space<semaphore_mem>>) src(%dma_wait3A_56 : memref<160000x128xf32, #tpu.memory_space<hbm>>) dst(%dma_wait3A_50 : memref<128x128xf32, #tpu.memory_space<vmem>>)
    %run_scoped3A_57 = arith.constant 1 : i32
    "tpu.region"() ({
      %run_scoped3A_59 = tpu.sem_alloc : memref<!tpu.dma_semaphore, #tpu.memory_space<semaphore_mem>>
      %dma_start3A_60 = arith.constant 0 : i32
      %dma_start3A_61 = arith.constant 0 : i32
      %dma_start3A_62 = tpu.memref_slice %arg9[%dma_start3A_60, %dma_start3A_61] : memref<256x128xf32, #tpu.memory_space<vmem>> -> memref<128x128xf32, #tpu.memory_space<vmem>>
      %dma_start3A_63 = arith.constant 0 : i32
      %dma_start3A_64 = tpu.memref_slice %arg6[%run_scoped3A_57, %dma_start3A_63] : memref<6x128xi32, #tpu.memory_space<vmem>> -> memref<1x128xi32, #tpu.memory_space<vmem>>
      %dma_start3A_65 = tpu.memref_squeeze %dma_start3A_64 : memref<1x128xi32, #tpu.memory_space<vmem>> -> memref<128xi32, #tpu.memory_space<vmem>>
      %dma_start3A_66 = arith.constant 0 : i32
      %dma_start3A_67 = arith.constant 0 : i32
      %dma_start3A_68 = tpu.memref_slice %arg10[%dma_start3A_66, %dma_start3A_67] : memref<10112x128xf32, #tpu.memory_space<vmem_shared>> -> memref<10112x128xf32, #tpu.memory_space<vmem_shared>>
      tpu.enqueue_indirect_dma source(%dma_start3A_62 : memref<128x128xf32, #tpu.memory_space<vmem>>) target(%dma_start3A_68 : memref<10112x128xf32, #tpu.memory_space<vmem_shared>>) offsets(%dma_start3A_65 : memref<128xi32, #tpu.memory_space<vmem>>) semaphore(%run_scoped3A_59 : memref<!tpu.dma_semaphore, #tpu.memory_space<semaphore_mem>>) {add = true}
      %dma_wait3A_69 = arith.constant 0 : i32
      %dma_wait3A_70 = arith.constant 0 : i32
      %dma_wait3A_71 = tpu.memref_slice %arg9[%dma_wait3A_69, %dma_wait3A_70] : memref<256x128xf32, #tpu.memory_space<vmem>> -> memref<128x128xf32, #tpu.memory_space<vmem>>
      %dma_wait3A_72 = arith.constant 0 : i32
      %dma_wait3A_73 = tpu.memref_slice %arg6[%run_scoped3A_57, %dma_wait3A_72] : memref<6x128xi32, #tpu.memory_space<vmem>> -> memref<1x128xi32, #tpu.memory_space<vmem>>
      %dma_wait3A_74 = tpu.memref_squeeze %dma_wait3A_73 : memref<1x128xi32, #tpu.memory_space<vmem>> -> memref<128xi32, #tpu.memory_space<vmem>>
      %dma_wait3A_75 = arith.constant 0 : i32
      %dma_wait3A_76 = arith.constant 0 : i32
      %dma_wait3A_77 = tpu.memref_slice %arg10[%dma_wait3A_75, %dma_wait3A_76] : memref<10112x128xf32, #tpu.memory_space<vmem_shared>> -> memref<10112x128xf32, #tpu.memory_space<vmem_shared>>
      tpu.wait_indirect_dma semaphore(%run_scoped3A_59 : memref<!tpu.dma_semaphore, #tpu.memory_space<semaphore_mem>>) src(%dma_wait3A_71 : memref<128x128xf32, #tpu.memory_space<vmem>>) dst(%dma_wait3A_77 : memref<10112x128xf32, #tpu.memory_space<vmem_shared>>)
      tpu.yield
    }) : () -> ()
    %barrier3A_58 = arith.constant 0 : index
    tpu.barrier barrier_id(%barrier3A_58)
    "tpu.region"() ({
      %run_scoped3A_59 = tpu.sem_alloc : memref<!tpu.dma_semaphore, #tpu.memory_space<semaphore_mem>>
      %dma_start3A_60 = arith.constant 0 : i32
      %dma_start3A_61 = tpu.memref_slice %arg5[%arg0, %mul3A_6, %dma_start3A_60] : memref<2x10112x128xf32, #tpu.memory_space<hbm>> -> memref<1x632x128xf32, #tpu.memory_space<hbm>>
      %dma_start3A_62 = tpu.memref_squeeze %dma_start3A_61 : memref<1x632x128xf32, #tpu.memory_space<hbm>> -> memref<632x128xf32, #tpu.memory_space<hbm>>
      %dma_start3A_63 = arith.constant 0 : i32
      %dma_start3A_64 = tpu.memref_slice %arg10[%mul3A_6, %dma_start3A_63] : memref<10112x128xf32, #tpu.memory_space<vmem_shared>> -> memref<632x128xf32, #tpu.memory_space<vmem_shared>>
      tpu.enqueue_dma source(%dma_start3A_64 : memref<632x128xf32, #tpu.memory_space<vmem_shared>>) target(%dma_start3A_62 : memref<632x128xf32, #tpu.memory_space<hbm>>) target_semaphore(%run_scoped3A_59 : memref<!tpu.dma_semaphore, #tpu.memory_space<semaphore_mem>>)
      %dma_wait3A_65 = arith.constant 0 : i32
      %dma_wait3A_66 = tpu.memref_slice %arg5[%arg0, %mul3A_6, %dma_wait3A_65] : memref<2x10112x128xf32, #tpu.memory_space<hbm>> -> memref<1x632x128xf32, #tpu.memory_space<hbm>>
      %dma_wait3A_67 = tpu.memref_squeeze %dma_wait3A_66 : memref<1x632x128xf32, #tpu.memory_space<hbm>> -> memref<632x128xf32, #tpu.memory_space<hbm>>
      %dma_wait3A_68 = arith.constant 0 : i32
      %dma_wait3A_69 = tpu.memref_slice %arg10[%mul3A_6, %dma_wait3A_68] : memref<10112x128xf32, #tpu.memory_space<vmem_shared>> -> memref<632x128xf32, #tpu.memory_space<vmem_shared>>
      tpu.wait_dma2 semaphore(%run_scoped3A_59 : memref<!tpu.dma_semaphore, #tpu.memory_space<semaphore_mem>>) src(%dma_wait3A_69 : memref<632x128xf32, #tpu.memory_space<vmem_shared>>) dst(%dma_wait3A_67 : memref<632x128xf32, #tpu.memory_space<hbm>>)
      tpu.yield
    }) : () -> ()
    return
  }
}

module attributes {stable_mosaic.version = 14 : i64} {
  func.func @_wbig_body(%arg0: memref<128x256xf32, #tpu.memory_space<vmem>>, %arg1: memref<1x2048xf32, #tpu.memory_space<vmem>>, %arg2: memref<1x2048xf32, #tpu.memory_space<vmem>>, %arg3: memref<128x2048xf32, #tpu.memory_space<vmem>>) attributes {dimension_semantics = [], scalar_prefetch = 0 : i64, scratch_operands = 0 : i64, tpu.core_type = #tpu.core_type<tc>} {
    %iota3A = tpu.iota {dimensions = array<i32: 0>} : vector<128x2048xi32>
    %iota3A_0 = tpu.iota {dimensions = array<i32: 1>} : vector<128x2048xi32>
    %shift_right_arithmetic3A = arith.constant 4 : i32
    %shift_right_arithmetic3A_1 = vector.broadcast %shift_right_arithmetic3A : i32 to vector<128x2048xi32>
    %shift_right_arithmetic3A_2 = arith.shrsi %iota3A_0, %shift_right_arithmetic3A_1 : vector<128x2048xi32>
    %eq3A = arith.cmpi eq, %iota3A, %shift_right_arithmetic3A_2 : vector<128x2048xi32>
    %jit3A = arith.constant 1.000000e+00 : f32
    %jit3A_3 = arith.constant 0.000000e+00 : f32
    %broadcast_in_dim3A = vector.broadcast %jit3A : f32 to vector<128x2048xf32>
    %broadcast_in_dim3A_4 = vector.broadcast %jit3A_3 : f32 to vector<128x2048xf32>
    %select_n3A = arith.select %eq3A, %broadcast_in_dim3A, %broadcast_in_dim3A_4 : vector<128x2048xi1>, vector<128x2048xf32>
    %get3A = arith.constant 0 : index
    %get3A_5 = arith.constant 0 : index
    %get3A_6 = vector.load %arg0[%get3A, %get3A_5] : memref<128x256xf32, #tpu.memory_space<vmem>>, vector<128x128xf32>
    %dot_general3A = arith.constant dense<0.000000e+00> : vector<128x2048xf32>
    %dot_general3A_7 = tpu.matmul %get3A_6, %select_n3A, %dot_general3A {dimension_numbers = #tpu.dot_dimension_numbers<[0], [0], [1], [1], [0, 1, 1, 1], [], []>, transpose_lhs_hint = false} : vector<128x128xf32>, vector<128x2048xf32>, vector<128x2048xf32> -> vector<128x2048xf32>
    %get3A_8 = arith.constant 0 : index
    %get3A_9 = arith.constant 128 : index
    %get3A_10 = vector.load %arg0[%get3A_8, %get3A_9] : memref<128x256xf32, #tpu.memory_space<vmem>>, vector<128x128xf32>
    %dot_general3A_11 = arith.constant dense<0.000000e+00> : vector<128x2048xf32>
    %dot_general3A_12 = tpu.matmul %get3A_10, %select_n3A, %dot_general3A_11 {dimension_numbers = #tpu.dot_dimension_numbers<[0], [0], [1], [1], [0, 1, 1, 1], [], []>, transpose_lhs_hint = false} : vector<128x128xf32>, vector<128x2048xf32>, vector<128x2048xf32> -> vector<128x2048xf32>
    %get3A_13 = arith.constant 0 : index
    %get3A_14 = arith.constant 0 : index
    %get3A_15 = vector.load %arg1[%get3A_13, %get3A_14] : memref<1x2048xf32, #tpu.memory_space<vmem>>, vector<1x2048xf32>
    %mul3A = vector.broadcast %get3A_15 : vector<1x2048xf32> to vector<128x2048xf32>
    %mul3A_16 = arith.mulf %dot_general3A_7, %mul3A : vector<128x2048xf32>
    %get3A_17 = arith.constant 0 : index
    %get3A_18 = arith.constant 0 : index
    %get3A_19 = vector.load %arg2[%get3A_17, %get3A_18] : memref<1x2048xf32, #tpu.memory_space<vmem>>, vector<1x2048xf32>
    %mul3A_20 = vector.broadcast %get3A_19 : vector<1x2048xf32> to vector<128x2048xf32>
    %mul3A_21 = arith.mulf %dot_general3A_12, %mul3A_20 : vector<128x2048xf32>
    %add3A = arith.addf %mul3A_16, %mul3A_21 : vector<128x2048xf32>
    %swap3A = arith.constant 0 : index
    %swap3A_22 = arith.constant 0 : index
    %swap3A_23 = vector.load %arg3[%swap3A, %swap3A_22] : memref<128x2048xf32, #tpu.memory_space<vmem>>, vector<128x2048xf32>
    tpu.vector_store %arg3[%swap3A, %swap3A_22], %add3A {strides = array<i32>} : memref<128x2048xf32, #tpu.memory_space<vmem>>, vector<128x2048xf32>,
    return
  }
}

module attributes {stable_mosaic.version = 14 : i64} {
  func.func @_h_body(%arg0: i32, %arg1: memref<400x128xf32, #tpu.memory_space<vmem>>, %arg2: memref<128x2048xf32, #tpu.memory_space<vmem>>, %arg3: memref<400x16x128xf32, #tpu.memory_space<vmem>>) attributes {dimension_semantics = [#tpu.dimension_semantics<arbitrary>], iteration_bounds = array<i64: 25>, scalar_prefetch = 0 : i64, scratch_operands = 0 : i64, tpu.core_type = #tpu.core_type<tc>, window_params = [{transform_indices = @transform_0, window_bounds = array<i64: 400, 128>}, {pipeline_mode = #tpu.pipeline_mode<synchronous>, transform_indices = @transform_1, window_bounds = array<i64: 128, 2048>}, {transform_indices = @transform_2, window_bounds = array<i64: 400, 16, 128>}]} {
    %get3A = arith.constant 0 : index
    %get3A_0 = arith.constant 0 : index
    %get3A_1 = vector.load %arg1[%get3A, %get3A_0] : memref<400x128xf32, #tpu.memory_space<vmem>>, vector<400x128xf32>
    %convert_element_type3A = arith.truncf %get3A_1 : vector<400x128xf32> to vector<400x128xbf16>
    %get3A_2 = arith.constant 0 : index
    %get3A_3 = arith.constant 0 : index
    %get3A_4 = vector.load %arg2[%get3A_2, %get3A_3] : memref<128x2048xf32, #tpu.memory_space<vmem>>, vector<128x2048xf32>
    %convert_element_type3A_5 = arith.truncf %get3A_4 : vector<128x2048xf32> to vector<128x2048xbf16>
    %dot_general3A = arith.constant dense<0.000000e+00> : vector<400x2048xf32>
    %dot_general3A_6 = tpu.matmul %convert_element_type3A, %convert_element_type3A_5, %dot_general3A {dimension_numbers = #tpu.dot_dimension_numbers<[1], [0], [0], [1], [0, 0, 1, 1], [], []>, transpose_lhs_hint = false} : vector<400x128xbf16>, vector<128x2048xbf16>, vector<400x2048xf32> -> vector<400x2048xf32>
    %reshape3A = vector.shape_cast %dot_general3A_6 : vector<400x2048xf32> to vector<400x16x128xf32>
    %swap3A = arith.constant 0 : index
    %swap3A_7 = arith.constant 0 : index
    %swap3A_8 = arith.constant 0 : index
    %swap3A_9 = vector.load %arg3[%swap3A, %swap3A_7, %swap3A_8] : memref<400x16x128xf32, #tpu.memory_space<vmem>>, vector<400x16x128xf32>
    tpu.vector_store %arg3[%swap3A, %swap3A_7, %swap3A_8], %reshape3A {strides = array<i32>} : memref<400x16x128xf32, #tpu.memory_space<vmem>>, vector<400x16x128xf32>,
    return
  }
  func.func @transform_0(%arg0: i32) -> (i32, i32) {
    %c0_i32 = arith.constant 0 : i32
    %c0_i32_0 = arith.constant 0 : i32
    return %arg0, %c0_i32 : i32, i32
  }
  func.func @transform_1(%arg0: i32) -> (i32, i32) {
    %c0_i32 = arith.constant 0 : i32
    %c0_i32_0 = arith.constant 0 : i32
    %c0_i32_1 = arith.constant 0 : i32
    return %c0_i32, %c0_i32_0 : i32, i32
  }
  func.func @transform_2(%arg0: i32) -> (i32, i32, i32) {
    %c0_i32 = arith.constant 0 : i32
    %c0_i32_0 = arith.constant 0 : i32
    %c0_i32_1 = arith.constant 0 : i32
    return %arg0, %c0_i32, %c0_i32_0 : i32, i32, i32
  }
}

module attributes {stable_mosaic.version = 14 : i64} {
  func.func @_final_body(%arg0: i32, %arg1: memref<2x2000x128xf32, #tpu.memory_space<vmem>>, %arg2: memref<1x128xf32, #tpu.memory_space<vmem>>, %arg3: memref<2000x128xf32, #tpu.memory_space<vmem>>) attributes {dimension_semantics = [#tpu.dimension_semantics<arbitrary>], iteration_bounds = array<i64: 5>, scalar_prefetch = 0 : i64, scratch_operands = 0 : i64, tpu.core_type = #tpu.core_type<tc>, window_params = [{transform_indices = @transform_0, window_bounds = array<i64: 2, 2000, 128>}, {pipeline_mode = #tpu.pipeline_mode<synchronous>, transform_indices = @transform_1, window_bounds = array<i64: 1, 128>}, {transform_indices = @transform_2, window_bounds = array<i64: 2000, 128>}]} {
    %get3A = arith.constant 0 : index
    %get3A_0 = arith.constant 0 : index
    %get3A_1 = arith.constant 0 : index
    %get3A_2 = vector.load %arg1[%get3A, %get3A_0, %get3A_1] : memref<2x2000x128xf32, #tpu.memory_space<vmem>>, vector<1x2000x128xf32>
    %get3A_3 = vector.shape_cast %get3A_2 : vector<1x2000x128xf32> to vector<2000x128xf32>
    %get3A_4 = arith.constant 1 : index
    %get3A_5 = arith.constant 0 : index
    %get3A_6 = arith.constant 0 : index
    %get3A_7 = vector.load %arg1[%get3A_4, %get3A_5, %get3A_6] : memref<2x2000x128xf32, #tpu.memory_space<vmem>>, vector<1x2000x128xf32>
    %get3A_8 = vector.shape_cast %get3A_7 : vector<1x2000x128xf32> to vector<2000x128xf32>
    %add3A = arith.addf %get3A_3, %get3A_8 : vector<2000x128xf32>
    %get3A_9 = arith.constant 0 : index
    %get3A_10 = arith.constant 0 : index
    %get3A_11 = vector.load %arg2[%get3A_9, %get3A_10] : memref<1x128xf32, #tpu.memory_space<vmem>>, vector<1x128xf32>
    %add3A_12 = vector.broadcast %get3A_11 : vector<1x128xf32> to vector<2000x128xf32>
    %add3A_13 = arith.addf %add3A, %add3A_12 : vector<2000x128xf32>
    %swap3A = arith.constant 0 : index
    %swap3A_14 = arith.constant 0 : index
    %swap3A_15 = vector.load %arg3[%swap3A, %swap3A_14] : memref<2000x128xf32, #tpu.memory_space<vmem>>, vector<2000x128xf32>
    tpu.vector_store %arg3[%swap3A, %swap3A_14], %add3A_13 {strides = array<i32>} : memref<2000x128xf32, #tpu.memory_space<vmem>>, vector<2000x128xf32>,
    return
  }
  func.func @transform_0(%arg0: i32) -> (i32, i32, i32) {
    %c0_i32 = arith.constant 0 : i32
    %c0_i32_0 = arith.constant 0 : i32
    %c0_i32_1 = arith.constant 0 : i32
    return %c0_i32, %arg0, %c0_i32_0 : i32, i32, i32
  }
  func.func @transform_1(%arg0: i32) -> (i32, i32) {
    %c0_i32 = arith.constant 0 : i32
    %c0_i32_0 = arith.constant 0 : i32
    %c0_i32_1 = arith.constant 0 : i32
    return %c0_i32, %c0_i32_0 : i32, i32
  }
  func.func @transform_2(%arg0: i32) -> (i32, i32) {
    %c0_i32 = arith.constant 0 : i32
    %c0_i32_0 = arith.constant 0 : i32
    return %arg0, %c0_i32 : i32, i32
  }
}

</mosaic_0001>

<sc_bundles>
// kernel: kernel.6.cloned.1.call-start
scs
__scs_entry_jumppad:
0x0: {  	(pc) =	sbr.rel $0x88, $3  }
0x1: {  	(tag) =	ssettag $0x0;
	lr =	simm.s32 $0x1  }
0x2: {  	[smem:$0x3F9A] =	sst lr;
	_ =	strace $0xD0000000  }
0x3: {  	_ = 	snop  }
0x4: {  	_ = 	snop  }
0x5: {  	_ = 	snop  }
0x6: {  	_ = 	snop  }
0x7: {  	_ = 	snop  }
__scs_overlays_trampoline_lowered:
0x8: {  	[smem:$0x3FA9] =	sst s0  }
0x9: {  	[smem:$0x3FAA] =	sst s1  }
0xa: {  	[smem:$0x3FAB] =	sst s2  }
0xb: {  	[smem:$0x3FAC] =	sst s3  }
0xc: {  	[smem:$0x3FAD] =	sst s4  }
0xd: {  	[smem:$0x3FAE] =	sst s5  }
0xe: {  	[smem:$0x3FAF] =	sst s6  }
0xf: {  	[smem:$0x3FB0] =	sst s7  }
0x10: {  	[smem:$0x3FB1] =	sst s8  }
0x11: {  	[smem:$0x3FB2] =	sst s9;
	s0 =	simm.s32 @!p0 $0x0  }
0x12: {  	s1 =	sld [smem:$0x3F98];
	s0 =	simm.s32 @p0 $0x1  }
0x13: {  	[smem:$0x3FB3] =	sst s0;
	s0 =	simm.s32 @!p1 $0x0  }
0x14: {  	s2 =	sld [smem:$0x3F97];
	s0 =	simm.s32 @p1 $0x1  }
0x15: {  	[smem:$0x3FB4] =	sst s0;
	s0 =	simm.s32 @!p2 $0x0  }
0x16: {  	s3 =	sld [smem:$0x3FDB];
	s0 =	simm.s32 @p2 $0x1  }
0x17: {  	s4 =	simm.s32 $0x1BF5;
	[smem:$0x3FB6] =	sst s0  }
0x18: {  	s0 =	sld [smem:$0x3F99];
	_ =	swait.ge [sflag:s4], $0x0  }
0x19: {  	s7 =	sld [smem:$0x3F9A]  }
0x1a: {  	s8 =	sadd.s32 $0xFFFFE003, lr  }
0x1b: {  	s9 =	sadd.s32 $0xFFFFFEF7, lr;
	s5 =	simm.s32 $0xFFFFFFFF;
	p2 =	slt.u32 s8, $0xFFFFF086  }
0x1c: {  	p1 =	slt.u32 s9, $0xF7A;
	s5 =	simm.s32 @!p2 $0x0  }
0x1d: {  	s5 =	simm.s32 @p1 $0x1;
	p0 =	seq.s32 s7, s2  }
0x1e: {  	s7 =	smul.u32 @!p0 $0xF7A, s2;
	p2 =	seq.s32 @!p0 s5, $0x0  }
0x1f: {  	s9 =	smul.u32 $0xF7A, s1;
	s8 =	simm.s32 @!p0 $0x1BF5;
	p2 =	por !p2, p0  }
0x20: {  	[sflag:s8] =	ssyncset.s32 @!p0 $0xFFFFF086;
	s6 =	sadd.s32 @!p0 s3, s7;
	s7 =	simm.s32 @!p0 $0x108  }
0x21: {  	s3 =	sadd.s32 s3, s9;
	s6 =	sadd.s32 @!p0 $0x88, s6;
	s7 =	simm.s32 @p2 $0x1082  }
0x22: {  	[simem:s7], [sflag:s8] =	dma.local @!p0 [hbm:s6], $0xF7A  }
0x23: {  	s9 =	sor.u32 $0xD0000000, s2;
	s6 =	simm.s32 $0x108;
	_ =	swait.ge @!p0 [sflag:s8], $0x0  }
0x24: {  	s3 =	sadd.s32 $0x88, s3;
	s6 =	simm.s32 @!p1 $0x1082;
	[sflag:s4] =	ssyncset.s32 $0xFFFFF086  }
0x25: {  	[simem:s6], [sflag:s4] =	dma.local [hbm:s3], $0xF7A  }
0x26: {  	[smem:$0x3F9A] =	sst s1;
	(tag) =	ssettag s2;
	_ =	strace s9  }
0x27: {  	s1 =	sld [smem:$0x3FAA]  }
0x28: {  	s2 =	sld [smem:$0x3FAB]  }
0x29: {  	s4 =	sld [smem:$0x3FAD]  }
0x2a: {  	p0 =	seq.s32 s5, $0x0;
	s5 =	sld [smem:$0x3FAE]  }
0x2b: {  	s6 =	sld [smem:$0x3FAF]  }
0x2c: {  	s7 =	sld [smem:$0x3FB0]  }
0x2d: {  	s3 =	simm.s32 $0x108;
	s8 =	sld [smem:$0x3FB1]  }
0x2e: {  	s3 =	simm.s32 @!p0 $0x1082;
	s9 =	sld [smem:$0x3FB2]  }
0x2f: {  	lr =	sadd.s32 s0, s3;
	s0 =	sld [smem:$0x3FA9]  }
0x30: {  	s3 =	sld [smem:$0x3FAC]  }
0x31: {  	[smem:$0x3FB5] =	sst s10  }
0x32: {  	s10 =	sld [smem:$0x3FB3];
	_ =	sdelay $0x3  }
0x33: {  	p0 =	seq.s32 s10, $0x1;
	s10 =	sld [smem:$0x3FB5];
	_ =	sdelay $0x3  }
0x34: {  	[smem:$0x3FB5] =	sst s10  }
0x35: {  	s10 =	sld [smem:$0x3FB4];
	_ =	sdelay $0x3  }
0x36: {  	p1 =	seq.s32 s10, $0x1;
	s10 =	sld [smem:$0x3FB5];
	_ =	sdelay $0x3  }
0x37: {  	[smem:$0x3FB5] =	sst s10  }
0x38: {  	s10 =	sld [smem:$0x3FB6]  }
0x39: {  	_ = 	snop;
	(pc) =	sbr.ind lr, $3  }
0x3a: {  	_ = 	snop  }
0x3b: {  	_ = 	snop  }
0x3c: {  	p2 =	seq.s32 s10, $0x1;
	s10 =	sld [smem:$0x3FB5]  }
0x3d: {  	_ =	shalt  }
0x3e: {  	_ =	shalt  }
0x3f: {  	_ =	shalt  }
0x40: {  	_ =	shalt  }
0x41: {  	_ =	shalt  }
0x42: {  	_ =	shalt  }
0x43: {  	_ =	shalt  }
0x44: {  	_ =	shalt  }
0x45: {  	_ =	shalt  }
0x46: {  	_ =	shalt  }
0x47: {  	_ =	shalt  }
0x48: {  	_ =	shalt  }
0x49: {  	_ =	shalt  }
0x4a: {  	_ =	shalt  }
0x4b: {  	_ =	shalt  }
0x4c: {  	_ =	shalt  }
0x4d: {  	_ =	shalt  }
0x4e: {  	_ =	shalt  }
0x4f: {  	_ =	shalt  }
0x50: {  	_ =	shalt  }
0x51: {  	_ =	shalt  }
0x52: {  	_ =	shalt  }
0x53: {  	_ =	shalt  }
0x54: {  	_ =	shalt  }
0x55: {  	_ =	shalt  }
0x56: {  	_ =	shalt  }
0x57: {  	_ =	shalt  }
0x58: {  	_ =	shalt  }
0x59: {  	_ =	shalt  }
0x5a: {  	_ =	shalt  }
0x5b: {  	_ =	shalt  }
0x5c: {  	_ =	shalt  }
0x5d: {  	_ =	shalt  }
0x5e: {  	_ =	shalt  }
0x5f: {  	_ =	shalt  }
0x60: {  	_ =	shalt  }
0x61: {  	_ =	shalt  }
0x62: {  	_ =	shalt  }
0x63: {  	_ =	shalt  }
0x64: {  	_ =	shalt  }
0x65: {  	_ =	shalt  }
0x66: {  	_ =	shalt  }
0x67: {  	_ =	shalt  }
0x68: {  	_ =	shalt  }
0x69: {  	_ =	shalt  }
0x6a: {  	_ =	shalt  }
0x6b: {  	_ =	shalt  }
0x6c: {  	_ =	shalt  }
0x6d: {  	_ =	shalt  }
0x6e: {  	_ =	shalt  }
0x6f: {  	_ =	shalt  }
0x70: {  	_ =	shalt  }
0x71: {  	_ =	shalt  }
0x72: {  	_ =	shalt  }
0x73: {  	_ =	shalt  }
0x74: {  	_ =	shalt  }
0x75: {  	_ =	shalt  }
0x76: {  	_ =	shalt  }
0x77: {  	_ =	shalt  }
0x78: {  	_ =	shalt  }
0x79: {  	_ =	shalt  }
0x7a: {  	_ =	shalt  }
0x7b: {  	_ =	shalt  }
0x7c: {  	_ =	shalt  }
0x7d: {  	_ =	shalt  }
0x7e: {  	_ =	shalt  }
0x7f: {  	_ =	shalt  }
0x80: {  	_ =	shalt  }
0x81: {  	_ =	shalt  }
0x82: {  	_ =	shalt  }
0x83: {  	_ =	shalt  }
0x84: {  	_ =	shalt  }
0x85: {  	_ =	shalt  }
0x86: {  	_ =	shalt  }
0x87: {  	_ =	shalt  }
.Lfunc_end0:
.L_simem_size_0:
called_computation_lowered:
.L_overlay_start_0:
0x88: {  	s2 =	sld [smem:$0x3FD9]  }
0x89: {  	s3 =	sld [smem:$0x3FFE];
	_ =	sdelay $0x1  }
0x8a: {  	s1 =	srdreg.scid  }
0x8b: {  	s0 =	sand.u32 $0x1, s1  }
0x8c: {  	s17 =	sshll.u32 s0, $0xA;
	s2 =	sadd.s32 s3, s2  }
0x8d: {  	s2 =	sadd.s32 s2, s17  }
0x8e: {  	[smem:$0x3FC1] =	sst s2  }
0x8f: {  	_ = 	snop  }
0x90: {  	s2 =	sld [smem:$0x3FD0];
	(tm) =	ssettm $0x1  }
0x91: {  	s18 =	sld [smem:$0x3FFB];
	_ =	sdelay $0x3  }
0x92: {  	_ =	strace s18  }
0x93: {  	s3 =	sld [smem:$0x3FFC];
	_ =	sdelay $0x3  }
0x94: {  	_ =	strace s3  }
0x95: {  	s3 =	sld [smem:$0x3FFD];
	_ =	sdelay $0x3  }
0x96: {  	_ =	strace s3  }
0x97: {  	_ =	strace $0x8FFFFFFF  }
0x98: {  	s19 =	sld [smem:$0x3FDB];
	_ =	sdelay $0x1  }
0x99: {  	s4 =	simm.s32 $_scs_section_size  }
0x9a: {  	s5 =	simm.s32 $_size__tile_overlayer_lowered;
	s6 =	simm.s32 $_tile_overlayer_lowered  }
0x9b: {  	s22 =	simm.s32 $0x1BFF;
	s21 =	sshll.u32 s6, $0x1;
	s3 =	sadd.s32 s4, s19  }
0x9c: {  	s7 =	simm.s32 $0x0;
	s20 =	sshll.u32 s5, $0x1;
	s5 =	sadd.s32 s21, s3  }
0x9d: {  	[timem:s7], [sflag:s22] =	dma.local [hbm:s5], s20  }
0x9e: {  	_ =	swait.ge [sflag:s22], s20  }
0x9f: {  	s4 =	ssub.s32 $0x0, s20;
	[sflag:s22] =	ssyncset.done $0x0  }
0xa0: {  	[sflag:s22] =	ssyncadd.s32 s4;
	_ =	sdelay $0x1  }
0xa1: {  	s23 =	simm.s32 $0x1B8B  }
0xa2: {  	_ =	swait.ge [sflag:s23], $0x1  }
0xa3: {  	[sflag:s23] =	ssyncset.done $0x0  }
0xa4: {  	s25 =	simm.s32 $0x1B8E;
	s24 =	sld [smem:$0x3FFE];
	[sflag:s23] =	ssyncadd.s32 $0xFFFFFFFF  }
0xa5: {  	s26 =	simm.s32 $execute0_lowered;
	[smem:$0x3FD2] =	sst s25  }
0xa6: {  	s5 =	sshll.u32 s26, $0x1;
	_ =	strace $0x80000046;
	[dreg:$0x1] =	wrdreg $0xFFFFFFFF  }
0xa7: {  	s28 =	simm.s32 $_size_execute0_lowered;
	s3 =	sadd.s32 s3, s5;
	[dreg:$0x0] =	wrdreg $0x0  }
0xa8: {  	s5 =	sshll.u32 s28, $0x1;
	[dreg:$0x2] =	wrdreg s3  }
0xa9: {  	[dreg:$0x3] =	wrdreg s5  }
0xaa: {  	[dreg:$0x4] =	wrdreg $0xC0  }
0xab: {  	_ =	task [dreg:s7], $0x5FFFF  }
0xac: {  	[dreg:$0x1] =	wrdreg $0xFFFFFFFF  }
0xad: {  	[dreg:$0x0] =	wrdreg $0x60  }
0xae: {  	[dreg:$0x2] =	wrdreg s24  }
0xaf: {  	[dreg:$0x3] =	wrdreg s2  }
0xb0: {  	[dreg:$0x4] =	wrdreg $0x8F000  }
0xb1: {  	[dreg:$0x5] =	wrdreg $0x9  }
0xb2: {  	_ =	task.clear_ibuf [dreg:s7], $0x6FFFF;
	_ =	strace $0x90000046  }
0xb3: {  	s29 =	simm.s32 $0x9;
	_ =	strace $0x80000048  }
0xb4: {  	_ =	swait.ge [sflag:s29], $0x1  }
0xb5: {  	[sflag:s29] =	ssyncadd.s32 $0xFFFFFFFF  }
0xb6: {  	_ =	strace $0x90000048  }
0xb7: {  	_ =	sfence  }
0xb8: {  	s30 =	sld [smem:$0x0];
	_ =	sdelay $0x2  }
0xb9: {  	s31 =	sshll.u32 s1, $0xD;
	s1 =	sshrl.u32 s1, $0x2  }
0xba: {  	s3 =	sand.u32 $0x4000, s31;
	s1 =	sadd.s32 s1, s30  }
0xbb: {  	s0 =	sor.u32 s3, s0;
	s1 =	sshll.u32 s1, $0x11  }
0xbc: {  	s0 =	sor.u32 s1, s0  }
0xbd: {  	s0 =	sadd.s32 $0x8F2B, s0  }
0xbe: {  	[sflag:s0] =	ssyncadd.remote.s32 $0x1  }
0xbf: {  	_ =	sfence.sel $0xFFFF  }
0xc0: {  	[dreg:$0x0] =	wrdreg $0xFFFFFFFF;
	(pc) =	sbr.abs _section_cstart, $3  }
0xc1: {  	[dreg:$0x1] =	wrdreg $0xFFFFFFFF  }
0xc2: {  	_ =	task.clear_ibuf [dreg:s7], $0x2FFFF;
	_ =	strace $0x9FFFFFFF  }
0xc3: {  	(tm) =	ssettm $0x7FFFFFFF  }
tec
execute0_lowered:
.L_overlay_start_1:
0x0: {  	(tag) =	ssettag $0x1  }
0x1: {  	s6 =	rddreg [dreg:$0x0]  }
0x2: {  	s1 =	rddreg [dreg:$0x1]  }
0x3: {  	s2 =	rddreg [dreg:$0x2];
	s3 =	srdreg.scid  }
0x4: {  	s0 =	rddreg [dreg:$0x3];
	s4 =	simm.s32 $0x0;
	s17 =	simm.s32 $0x3  }
0x5: {  	s18 =	simm.s32 $0xF00;
	s19 =	simm.s32 $0x80;
	s20 =	simm.s32 $0xE00  }
0x6: {  	s21 =	simm.s32 $0x180;
	s22 =	simm.s32 $0x1;
	s23 =	simm.s32 $0x2  }
0x7: {  	s24 =	simm.s32 $0x0;
	s7 =	sand.u32 $0x1, s3;
	s3 =	stileid.u32  }
0x8: {  	[smem:$0x7FF] =	sst s4;
	s15 =	sadd.s32 $0x271800, s6;
	s8 =	smul.u32 $0x13C000, s7  }
0x9: {  	s5 =	sadd.s32 $0x800, s6;
	s9 =	smul.u32 $0x13C00, s3;
	_ =	strace $0x80000047  }
0xa: {  	s10 =	sshll.u32 s3, $0x1;
	s11 =	smul.u32 $0x4F000, s3;
	s28 =	ssub.s32 $0x2, s7  }
0xb: {  	s13 =	smul.u32 $0x9E00, s7;
	s10 =	sor.u32 s7, s10;
	s30 =	sshrl.u32 s28, $0x1  }
0xc: {  	s8 =	sadd.s32 s9, s8;
	s29 =	smul.u32 $0x9E00, s10;
	s11 =	sshrl.u32 s11, $0x2  }
0xd: {  	s14 =	ssub.s32 s28, s30;
	s31 =	sadd.s32 s13, s9;
	s8 =	sshrl.u32 s8, $0x3  }
0xe: {  	s13 =	sadd.s32 $0x400, s31;
	s12 =	sadd.s32 s8, s6;
	s6 =	sadd.s32 s11, s2  }
0xf: {  	s8 =	sshrl.u32 s29, $0x3;
	s11 =	smax.u32 s14, $0x1;
	s16 =	sshrl.u32 s13, $0x3  }
0x10: {  	s7 =	sadd.s32 $0x10000, s6;
	s8 =	sadd.s32 s15, s8;
	s10 =	sadd.s32 $0x299000, s12  }
0x11: {  	s12 =	sadd.s32 $0x4000, s6;
	s13 =	sadd.s32 $0x8000, s6;
	s14 =	sadd.s32 $0xC000, s6  }
0x12: {  	v0 =	vimm.f32 $0.0e+00;
	s15 =	sadd.s32 s16, s15;
	s16 =	simm.s32 $0x400;
	s9 =	sadd.s32 $0x40, s8  }
.LBB2_1:
0x13: {  	[tilespmem:s16], [sflag:$0x3] =	stream.linear.gather [hbm4b:s1+s4], $0xA00, $0x38;
	[tilespmem:$0x1CB00] =	vst v63  }
0x14: {  	s25 =	sand.u32 $0x1FE00, s4;
	s26 =	sand.u32 $0x70, s4;
	_ =	swait.ge [sflag:s17], $0xA00  }
0x15: {  	s28 =	sshrl.u32 s25, $0x2;
	s25 =	simm.s32 $0x40;
	[sflag:s17] =	ssyncset.done $0x0  }
0x16: {  	s28 =	sor.u32 s26, s28;
	s26 =	simm.s32 $0x0;
	[sflag:s17] =	ssyncadd.s32 $0xFFFFF600  }
.LBB2_2:
0x17: {  	p0 =	sne.s32 s25, $0x1FFC0  }
0x18: {  	[tilespmem:s28+$0xF00] =	vst v0;
	s26 =	sadd.s32 $0x10, s26;
	s28 =	smov.u32 s25;
	s25 =	sadd.s32 $0x40, s25  }
.Ltmp0:
0x19: {  	(pc) =	sbr.rel @p0 .LBB2_2-.Ltmp0, $4  }
0x1a: {  	_ = 	snop  }
0x1b: {  	s28 =	sand.u32 $0x1FE00, s28  }
0x1c: {  	s29 =	sand.u32 $0x70, s26;
	s28 =	sshrl.u32 s28, $0x2  }
0x1d: {  	s28 =	sor.u32 s29, s28  }
0x1e: {  	[tilespmem:s28+$0xF00] =	vst v0  }
0x1f: {  	[spmem:s6] =	stream.linear.scatter [tilespmem:s18], [sflag:$0x3], $0x4000, $0x38;
	[tilespmem:$0x1CB00] =	vst v63  }
0x20: {  	_ =	swait.ge [sflag:s17], $0x4000  }
0x21: {  	[sflag:s17] =	ssyncset.done $0x0  }
0x22: {  	[sflag:s17] =	ssyncadd.s32 $0xFFFFC000  }
0x23: {  	[spmem:s12] =	stream.linear.scatter [tilespmem:s18], [sflag:$0x3], $0x4000, $0x38;
	[tilespmem:$0x1CB00] =	vst v63  }
0x24: {  	_ =	swait.ge [sflag:s17], $0x4000  }
0x25: {  	[sflag:s17] =	ssyncset.done $0x0  }
0x26: {  	[sflag:s17] =	ssyncadd.s32 $0xFFFFC000  }
0x27: {  	[spmem:s13] =	stream.linear.scatter [tilespmem:s18], [sflag:$0x3], $0x4000, $0x38;
	[tilespmem:$0x1CB00] =	vst v63  }
0x28: {  	_ =	swait.ge [sflag:s17], $0x4000  }
0x29: {  	[sflag:s17] =	ssyncset.done $0x0  }
0x2a: {  	[sflag:s17] =	ssyncadd.s32 $0xFFFFC000  }
0x2b: {  	[spmem:s14] =	stream.linear.scatter [tilespmem:s18], [sflag:$0x3], $0x4000, $0x38;
	[tilespmem:$0x1CB00] =	vst v63  }
0x2c: {  	_ =	swait.ge [sflag:s17], $0x4000  }
0x2d: {  	[sflag:s17] =	ssyncset.done $0x0  }
0x2e: {  	[sflag:s17] =	ssyncadd.s32 $0xFFFFC000  }
0x2f: {  	[spmem:s7] =	stream.linear.scatter [tilespmem:s18], [sflag:$0x3], $0x3C00, $0x38;
	[tilespmem:$0x1CB00] =	vst v63  }
0x30: {  	_ =	swait.ge [sflag:s17], $0x3C00  }
0x31: {  	[sflag:s17] =	ssyncset.done $0x0  }
0x32: {  	[sflag:s17] =	ssyncadd.s32 $0xFFFFC400  }
0x33: {  	s25 =	simm.s32 $0x0;
	[bflag:$0x0] =	sbarrier.arrive $0xFFFF  }
0x34: {  	[tilespmem:s25], [sflag:$0x3] =	stream.linear.gather [hbm4b:s8+s25], $0x180, $0x38;
	[tilespmem:$0x1CB00] =	vst v63  }
0x35: {  	_ =	swait.ge [sflag:s17], $0x180  }
0x36: {  	[sflag:s17] =	ssyncset.done $0x0  }
0x37: {  	[sflag:s17] =	ssyncadd.s32 $0xFFFFFE80  }
0x38: {  	v1 =	vld [tilespmem:$0x0]  }
0x39: {  	v2 =	vld [tilespmem:$0x80];
	_ =	sdelay $0x3  }
0x3a: {  	v3 =	vshra.s32 v1, $0x2  }
0x3b: {  	v4 =	vshra.s32 v2, $0x2;
	_ =	sdelay $0x1  }
0x3c: {  	v6 =	vld [tilespmem:$0x10]  }
0x3d: {  	v8 =	vld [tilespmem:$0x90]  }
0x3e: {  	v3 =	vld.idx.msk [tilespmem:v3+s16+$0x0], $0xffff  }
0x3f: {  	v4 =	vld.idx.msk [tilespmem:v4+s16+$0x0], $0xffff  }
0x40: {  	v5 =	vld [tilespmem:$0x100]  }
0x41: {  	v7 =	vshll.u32 v1, $0x3  }
0x42: {  	v2 =	vshll.u32 v2, $0x3;
	v1 =	vshll.u32 v1, $0x4;
	v7 =	vand.u32 $0x18, v7  }
0x43: {  	v21 =	vshra.s32 v6, $0x2;
	v2 =	vand.u32 $0x18, v2;
	v3 =	vshra.s32 v3, v7  }
0x44: {  	v22 =	vshra.s32 v8, $0x2;
	v2 =	vshra.s32 v4, v2;
	v3 =	vshll.u32 v3, $0x3  }
0x45: {  	v1 =	vadd.s32 v1, v5;
	v2 =	vshll.u32 v2, $0x2;
	v3 =	vand.u32 $0x18, v3  }
0x46: {  	v2 =	vand.u32 $0xC, v2;
	v1 =	vadd.s32 v3, v1  }
0x47: {  	v23 =	vld [tilespmem:$0x20];
	v1 =	vadd.s32 v2, v1  }
0x48: {  	v25 =	vld [tilespmem:$0xA0];
	[tilespmem:$0xE00] =	vst v1  }
0x49: {  	v2 =	vld.idx.msk [tilespmem:v21+s16+$0x0], $0xffff  }
0x4a: {  	v3 =	vld.idx.msk [tilespmem:v22+s16+$0x0], $0xffff  }
0x4b: {  	v1 =	vld [tilespmem:$0x110]  }
0x4c: {  	v24 =	vshll.u32 v6, $0x3  }
0x4d: {  	v8 =	vshll.u32 v8, $0x3;
	v27 =	vshll.u32 v6, $0x4;
	v5 =	vand.u32 $0x18, v24  }
0x4e: {  	v28 =	vshra.s32 v23, $0x2;
	v26 =	vand.u32 $0x18, v8;
	v2 =	vshra.s32 v2, v5  }
0x4f: {  	v29 =	vshra.s32 v25, $0x2;
	v3 =	vshra.s32 v3, v26;
	v2 =	vshll.u32 v2, $0x3  }
0x50: {  	v1 =	vadd.s32 v27, v1;
	v3 =	vshll.u32 v3, $0x2;
	v2 =	vand.u32 $0x18, v2  }
0x51: {  	v3 =	vand.u32 $0xC, v3;
	v1 =	vadd.s32 v2, v1  }
0x52: {  	v30 =	vld [tilespmem:$0x30];
	v1 =	vadd.s32 v3, v1  }
0x53: {  	v32 =	vld [tilespmem:$0xB0];
	[tilespmem:$0xE10] =	vst v1  }
0x54: {  	v2 =	vld.idx.msk [tilespmem:v28+s16+$0x0], $0xffff  }
0x55: {  	v3 =	vld.idx.msk [tilespmem:v29+s16+$0x0], $0xffff  }
0x56: {  	v1 =	vld [tilespmem:$0x120]  }
0x57: {  	v31 =	vshll.u32 v23, $0x3  }
0x58: {  	v34 =	vshra.s32 v30, $0x2;
	v6 =	vand.u32 $0x18, v31;
	v7 =	vshll.u32 v25, $0x3  }
0x59: {  	v35 =	vshra.s32 v32, $0x2;
	v33 =	vand.u32 $0x18, v7;
	v2 =	vshra.s32 v2, v6  }
0x5a: {  	v4 =	vshll.u32 v23, $0x4;
	v3 =	vshra.s32 v3, v33;
	v2 =	vshll.u32 v2, $0x3  }
0x5b: {  	v1 =	vadd.s32 v4, v1;
	v3 =	vshll.u32 v3, $0x2;
	v2 =	vand.u32 $0x18, v2  }
0x5c: {  	v3 =	vand.u32 $0xC, v3;
	v1 =	vadd.s32 v2, v1  }
0x5d: {  	v36 =	vld [tilespmem:$0x40];
	v1 =	vadd.s32 v3, v1  }
0x5e: {  	v38 =	vld [tilespmem:$0xC0];
	[tilespmem:$0xE20] =	vst v1  }
0x5f: {  	v2 =	vld.idx.msk [tilespmem:v34+s16+$0x0], $0xffff  }
0x60: {  	v3 =	vld.idx.msk [tilespmem:v35+s16+$0x0], $0xffff  }
0x61: {  	v1 =	vld [tilespmem:$0x130]  }
0x62: {  	v37 =	vshll.u32 v30, $0x3  }
0x63: {  	v40 =	vshra.s32 v36, $0x2;
	v8 =	vshll.u32 v32, $0x3;
	v6 =	vand.u32 $0x18, v37  }
0x64: {  	v41 =	vshra.s32 v38, $0x2;
	v39 =	vand.u32 $0x18, v8;
	v2 =	vshra.s32 v2, v6  }
0x65: {  	v5 =	vshll.u32 v30, $0x4;
	v3 =	vshra.s32 v3, v39;
	v2 =	vshll.u32 v2, $0x3  }
0x66: {  	v1 =	vadd.s32 v5, v1;
	v3 =	vshll.u32 v3, $0x2;
	v2 =	vand.u32 $0x18, v2  }
0x67: {  	v3 =	vand.u32 $0xC, v3;
	v1 =	vadd.s32 v2, v1  }
0x68: {  	v42 =	vld [tilespmem:$0x50];
	v1 =	vadd.s32 v3, v1  }
0x69: {  	v44 =	vld [tilespmem:$0xD0];
	[tilespmem:$0xE30] =	vst v1  }
0x6a: {  	v2 =	vld.idx.msk [tilespmem:v40+s16+$0x0], $0xffff  }
0x6b: {  	v3 =	vld.idx.msk [tilespmem:v41+s16+$0x0], $0xffff  }
0x6c: {  	v1 =	vld [tilespmem:$0x140]  }
0x6d: {  	v43 =	vshll.u32 v36, $0x3  }
0x6e: {  	v46 =	vshra.s32 v42, $0x2;
	v7 =	vshll.u32 v38, $0x3;
	v6 =	vand.u32 $0x18, v43  }
0x6f: {  	v47 =	vshra.s32 v44, $0x2;
	v45 =	vand.u32 $0x18, v7;
	v2 =	vshra.s32 v2, v6  }
0x70: {  	v4 =	vshll.u32 v36, $0x4;
	v3 =	vshra.s32 v3, v45;
	v2 =	vshll.u32 v2, $0x3  }
0x71: {  	v1 =	vadd.s32 v4, v1;
	v3 =	vshll.u32 v3, $0x2;
	v2 =	vand.u32 $0x18, v2  }
0x72: {  	v3 =	vand.u32 $0xC, v3;
	v1 =	vadd.s32 v2, v1  }
0x73: {  	v48 =	vld [tilespmem:$0x60];
	v1 =	vadd.s32 v3, v1  }
0x74: {  	v50 =	vld [tilespmem:$0xE0];
	[tilespmem:$0xE40] =	vst v1  }
0x75: {  	v2 =	vld.idx.msk [tilespmem:v46+s16+$0x0], $0xffff  }
0x76: {  	v3 =	vld.idx.msk [tilespmem:v47+s16+$0x0], $0xffff  }
0x77: {  	v1 =	vld [tilespmem:$0x150]  }
0x78: {  	v49 =	vshll.u32 v42, $0x3  }
0x79: {  	v52 =	vshra.s32 v48, $0x2;
	v8 =	vshll.u32 v44, $0x3;
	v6 =	vand.u32 $0x18, v49  }
0x7a: {  	v53 =	vshra.s32 v50, $0x2;
	v51 =	vand.u32 $0x18, v8;
	v2 =	vshra.s32 v2, v6  }
0x7b: {  	v5 =	vshll.u32 v42, $0x4;
	v3 =	vshra.s32 v3, v51;
	v2 =	vshll.u32 v2, $0x3  }
0x7c: {  	v1 =	vadd.s32 v5, v1;
	v3 =	vshll.u32 v3, $0x2;
	v2 =	vand.u32 $0x18, v2  }
0x7d: {  	v3 =	vand.u32 $0xC, v3;
	v1 =	vadd.s32 v2, v1  }
0x7e: {  	v54 =	vld [tilespmem:$0x70];
	v1 =	vadd.s32 v3, v1  }
0x7f: {  	v56 =	vld [tilespmem:$0xF0];
	[tilespmem:$0xE50] =	vst v1  }
0x80: {  	v2 =	vld.idx.msk [tilespmem:v52+s16+$0x0], $0xffff  }
0x81: {  	v3 =	vld.idx.msk [tilespmem:v53+s16+$0x0], $0xffff  }
0x82: {  	v1 =	vld [tilespmem:$0x160]  }
0x83: {  	v55 =	vshll.u32 v48, $0x3  }
0x84: {  	v58 =	vshra.s32 v54, $0x2;
	v7 =	vshll.u32 v50, $0x3;
	v6 =	vand.u32 $0x18, v55  }
0x85: {  	v59 =	vshra.s32 v56, $0x2;
	v57 =	vand.u32 $0x18, v7;
	v2 =	vshra.s32 v2, v6  }
0x86: {  	v4 =	vshll.u32 v48, $0x4;
	v3 =	vshra.s32 v3, v57;
	v2 =	vshll.u32 v2, $0x3  }
0x87: {  	v1 =	vadd.s32 v4, v1;
	v3 =	vshll.u32 v3, $0x2;
	v2 =	vand.u32 $0x18, v2  }
0x88: {  	v1 =	vadd.s32 v2, v1;
	v2 =	vand.u32 $0xC, v3  }
0x89: {  	v1 =	vadd.s32 v2, v1  }
0x8a: {  	[tilespmem:$0xE60] =	vst v1  }
0x8b: {  	v1 =	vld.idx.msk [tilespmem:v58+s16+$0x0], $0xffff  }
0x8c: {  	v2 =	vld.idx.msk [tilespmem:v59+s16+$0x0], $0xffff  }
0x8d: {  	v3 =	vld [tilespmem:$0x170]  }
0x8e: {  	v60 =	vshll.u32 v54, $0x3  }
0x8f: {  	v61 =	vshll.u32 v56, $0x3;
	v4 =	vand.u32 $0x18, v60  }
0x90: {  	v62 =	vand.u32 $0x18, v61;
	v1 =	vshra.s32 v1, v4  }
0x91: {  	v63 =	vshll.u32 v54, $0x4;
	v2 =	vshra.s32 v2, v62;
	v1 =	vshll.u32 v1, $0x3  }
0x92: {  	v3 =	vadd.s32 v63, v3;
	v2 =	vshll.u32 v2, $0x2;
	v1 =	vand.u32 $0x18, v1  }
0x93: {  	v2 =	vand.u32 $0xC, v2;
	v1 =	vadd.s32 v1, v3  }
0x94: {  	v1 =	vadd.s32 v2, v1  }
0x95: {  	[tilespmem:$0xE70] =	vst v1  }
0x96: {  	[tilespmem:s18], [sflag:$0x2] =	stream.indirect.gather [hbm4b:s5+s19], $0x80, s20, s19, $0xb8;
	[tilespmem:$0x1CB00] =	vst v63  }
0x97: {  	s26 =	smov.u32 s15  }
0x98: {  	[tilespmem:s21], [sflag:$0x1] =	stream.linear.gather [hbm4b:s9+s25], $0x180, $0x38;
	[tilespmem:$0x1CB00] =	vst v63  }
.LBB2_4:
0x99: {  	s28 =	sand.u32 $0x1, s25  }
0x9a: {  	s29 =	sxor.u32 $0x1, s28  }
0x9b: {  	_ =	swait.ge [sflag:s22], $0x180;
	s30 =	smul.u32 $0x600, s29  }
0x9c: {  	[sflag:s22] =	ssyncset.done $0x0  }
0x9d: {  	[sflag:s22] =	ssyncadd.s32 $0xFFFFFE80;
	s30 =	sshrl.u32 s30, $0x2  }
0x9e: {  	v1 =	vld [tilespmem:s30+$0x0]  }
0x9f: {  	v2 =	vld [tilespmem:s30+$0x80];
	_ =	sdelay $0x3  }
0xa0: {  	v3 =	vshra.s32 v1, $0x2  }
0xa1: {  	v4 =	vshra.s32 v2, $0x2;
	_ =	sdelay $0x3  }
0xa2: {  	v3 =	vld.idx.msk [tilespmem:v3+s16+$0x0], $0xffff  }
0xa3: {  	v4 =	vld.idx.msk [tilespmem:v4+s16+$0x0], $0xffff  }
0xa4: {  	v5 =	vld [tilespmem:s30+$0x100]  }
0xa5: {  	v6 =	vshll.u32 v1, $0x3  }
0xa6: {  	v2 =	vshll.u32 v2, $0x3;
	v6 =	vand.u32 $0x18, v6  }
0xa7: {  	v2 =	vand.u32 $0x18, v2;
	v3 =	vshra.s32 v3, v6  }
0xa8: {  	v1 =	vshll.u32 v1, $0x4;
	v2 =	vshra.s32 v4, v2;
	v3 =	vshll.u32 v3, $0x3  }
0xa9: {  	v1 =	vadd.s32 v1, v5;
	v2 =	vshll.u32 v2, $0x2;
	v3 =	vand.u32 $0x18, v3  }
0xaa: {  	v2 =	vand.u32 $0xC, v2;
	v1 =	vadd.s32 v3, v1  }
0xab: {  	s31 =	sshll.u32 s29, $0x7;
	v1 =	vadd.s32 v2, v1  }
0xac: {  	[tilespmem:s31+$0xE00] =	vst v1  }
0xad: {  	v1 =	vld [tilespmem:s30+$0x10]  }
0xae: {  	v2 =	vld [tilespmem:s30+$0x90];
	_ =	sdelay $0x3  }
0xaf: {  	v3 =	vshra.s32 v1, $0x2  }
0xb0: {  	v43 =	vshra.s32 v2, $0x2;
	_ =	sdelay $0x3  }
0xb1: {  	v3 =	vld.idx.msk [tilespmem:v3+s16+$0x0], $0xffff  }
0xb2: {  	v4 =	vld.idx.msk [tilespmem:v43+s16+$0x0], $0xffff  }
0xb3: {  	v44 =	vld [tilespmem:s30+$0x110]  }
0xb4: {  	v45 =	vshll.u32 v1, $0x3  }
0xb5: {  	v2 =	vshll.u32 v2, $0x3;
	v6 =	vand.u32 $0x18, v45  }
0xb6: {  	v2 =	vand.u32 $0x18, v2;
	v3 =	vshra.s32 v3, v6  }
0xb7: {  	v1 =	vshll.u32 v1, $0x4;
	v2 =	vshra.s32 v4, v2;
	v3 =	vshll.u32 v3, $0x3  }
0xb8: {  	v1 =	vadd.s32 v1, v44;
	v2 =	vshll.u32 v2, $0x2;
	v3 =	vand.u32 $0x18, v3  }
0xb9: {  	v2 =	vand.u32 $0xC, v2;
	v1 =	vadd.s32 v3, v1  }
0xba: {  	v1 =	vadd.s32 v2, v1  }
0xbb: {  	[tilespmem:s31+$0xE10] =	vst v1  }
0xbc: {  	v1 =	vld [tilespmem:s30+$0x20]  }
0xbd: {  	v2 =	vld [tilespmem:s30+$0xA0];
	_ =	sdelay $0x3  }
0xbe: {  	v3 =	vshra.s32 v1, $0x2  }
0xbf: {  	v46 =	vshra.s32 v2, $0x2;
	_ =	sdelay $0x3  }
0xc0: {  	v3 =	vld.idx.msk [tilespmem:v3+s16+$0x0], $0xffff  }
0xc1: {  	v4 =	vld.idx.msk [tilespmem:v46+s16+$0x0], $0xffff  }
0xc2: {  	v47 =	vld [tilespmem:s30+$0x120]  }
0xc3: {  	v48 =	vshll.u32 v1, $0x3  }
0xc4: {  	v2 =	vshll.u32 v2, $0x3;
	v6 =	vand.u32 $0x18, v48  }
0xc5: {  	v2 =	vand.u32 $0x18, v2;
	v3 =	vshra.s32 v3, v6  }
0xc6: {  	v1 =	vshll.u32 v1, $0x4;
	v2 =	vshra.s32 v4, v2;
	v3 =	vshll.u32 v3, $0x3  }
0xc7: {  	v1 =	vadd.s32 v1, v47;
	v2 =	vshll.u32 v2, $0x2;
	v3 =	vand.u32 $0x18, v3  }
0xc8: {  	v2 =	vand.u32 $0xC, v2;
	v1 =	vadd.s32 v3, v1  }
0xc9: {  	v1 =	vadd.s32 v2, v1  }
0xca: {  	[tilespmem:s31+$0xE20] =	vst v1  }
0xcb: {  	v1 =	vld [tilespmem:s30+$0x30]  }
0xcc: {  	v2 =	vld [tilespmem:s30+$0xB0];
	_ =	sdelay $0x3  }
0xcd: {  	v3 =	vshra.s32 v1, $0x2  }
0xce: {  	v49 =	vshra.s32 v2, $0x2;
	_ =	sdelay $0x3  }
0xcf: {  	v3 =	vld.idx.msk [tilespmem:v3+s16+$0x0], $0xffff  }
0xd0: {  	v4 =	vld.idx.msk [tilespmem:v49+s16+$0x0], $0xffff  }
0xd1: {  	v50 =	vld [tilespmem:s30+$0x130]  }
0xd2: {  	v51 =	vshll.u32 v1, $0x3  }
0xd3: {  	v2 =	vshll.u32 v2, $0x3;
	v6 =	vand.u32 $0x18, v51  }
0xd4: {  	v2 =	vand.u32 $0x18, v2;
	v3 =	vshra.s32 v3, v6  }
0xd5: {  	v1 =	vshll.u32 v1, $0x4;
	v2 =	vshra.s32 v4, v2;
	v3 =	vshll.u32 v3, $0x3  }
0xd6: {  	v1 =	vadd.s32 v1, v50;
	v2 =	vshll.u32 v2, $0x2;
	v3 =	vand.u32 $0x18, v3  }
0xd7: {  	v2 =	vand.u32 $0xC, v2;
	v1 =	vadd.s32 v3, v1  }
0xd8: {  	v1 =	vadd.s32 v2, v1  }
0xd9: {  	[tilespmem:s31+$0xE30] =	vst v1  }
0xda: {  	v1 =	vld [tilespmem:s30+$0x40]  }
0xdb: {  	v2 =	vld [tilespmem:s30+$0xC0];
	_ =	sdelay $0x3  }
0xdc: {  	v3 =	vshra.s32 v1, $0x2  }
0xdd: {  	v52 =	vshra.s32 v2, $0x2;
	_ =	sdelay $0x3  }
0xde: {  	v3 =	vld.idx.msk [tilespmem:v3+s16+$0x0], $0xffff  }
0xdf: {  	v4 =	vld.idx.msk [tilespmem:v52+s16+$0x0], $0xffff  }
0xe0: {  	v53 =	vld [tilespmem:s30+$0x140]  }
0xe1: {  	v54 =	vshll.u32 v1, $0x3  }
0xe2: {  	v2 =	vshll.u32 v2, $0x3;
	v6 =	vand.u32 $0x18, v54  }
0xe3: {  	v2 =	vand.u32 $0x18, v2;
	v3 =	vshra.s32 v3, v6  }
0xe4: {  	v1 =	vshll.u32 v1, $0x4;
	v2 =	vshra.s32 v4, v2;
	v3 =	vshll.u32 v3, $0x3  }
0xe5: {  	v1 =	vadd.s32 v1, v53;
	v2 =	vshll.u32 v2, $0x2;
	v3 =	vand.u32 $0x18, v3  }
0xe6: {  	v2 =	vand.u32 $0xC, v2;
	v1 =	vadd.s32 v3, v1  }
0xe7: {  	v1 =	vadd.s32 v2, v1  }
0xe8: {  	[tilespmem:s31+$0xE40] =	vst v1  }
0xe9: {  	v1 =	vld [tilespmem:s30+$0x50]  }
0xea: {  	v2 =	vld [tilespmem:s30+$0xD0];
	_ =	sdelay $0x3  }
0xeb: {  	v3 =	vshra.s32 v1, $0x2  }
0xec: {  	v55 =	vshra.s32 v2, $0x2;
	_ =	sdelay $0x3  }
0xed: {  	v3 =	vld.idx.msk [tilespmem:v3+s16+$0x0], $0xffff  }
0xee: {  	v4 =	vld.idx.msk [tilespmem:v55+s16+$0x0], $0xffff  }
0xef: {  	v56 =	vld [tilespmem:s30+$0x150]  }
0xf0: {  	v57 =	vshll.u32 v1, $0x3  }
0xf1: {  	v2 =	vshll.u32 v2, $0x3;
	v6 =	vand.u32 $0x18, v57  }
0xf2: {  	v2 =	vand.u32 $0x18, v2;
	v3 =	vshra.s32 v3, v6  }
0xf3: {  	v1 =	vshll.u32 v1, $0x4;
	v2 =	vshra.s32 v4, v2;
	v3 =	vshll.u32 v3, $0x3  }
0xf4: {  	v1 =	vadd.s32 v1, v56;
	v2 =	vshll.u32 v2, $0x2;
	v3 =	vand.u32 $0x18, v3  }
0xf5: {  	v2 =	vand.u32 $0xC, v2;
	v1 =	vadd.s32 v3, v1  }
0xf6: {  	v1 =	vadd.s32 v2, v1  }
0xf7: {  	[tilespmem:s31+$0xE50] =	vst v1  }
0xf8: {  	v1 =	vld [tilespmem:s30+$0x60]  }
0xf9: {  	v2 =	vld [tilespmem:s30+$0xE0];
	_ =	sdelay $0x3  }
0xfa: {  	v3 =	vshra.s32 v1, $0x2  }
0xfb: {  	v58 =	vshra.s32 v2, $0x2;
	_ =	sdelay $0x3  }
0xfc: {  	v3 =	vld.idx.msk [tilespmem:v3+s16+$0x0], $0xffff  }
0xfd: {  	v4 =	vld.idx.msk [tilespmem:v58+s16+$0x0], $0xffff  }
0xfe: {  	v59 =	vld [tilespmem:s30+$0x160]  }
0xff: {  	v60 =	vshll.u32 v1, $0x3  }
0x100: {  	v2 =	vshll.u32 v2, $0x3;
	v6 =	vand.u32 $0x18, v60  }
0x101: {  	v2 =	vand.u32 $0x18, v2;
	v3 =	vshra.s32 v3, v6  }
0x102: {  	v1 =	vshll.u32 v1, $0x4;
	v2 =	vshra.s32 v4, v2;
	v3 =	vshll.u32 v3, $0x3  }
0x103: {  	v1 =	vadd.s32 v1, v59;
	v2 =	vshll.u32 v2, $0x2;
	v3 =	vand.u32 $0x18, v3  }
0x104: {  	v2 =	vand.u32 $0xC, v2;
	v1 =	vadd.s32 v3, v1  }
0x105: {  	v1 =	vadd.s32 v2, v1  }
0x106: {  	[tilespmem:s31+$0xE60] =	vst v1  }
0x107: {  	v1 =	vld [tilespmem:s30+$0x70]  }
0x108: {  	v2 =	vld [tilespmem:s30+$0xF0];
	_ =	sdelay $0x3  }
0x109: {  	v3 =	vshra.s32 v1, $0x2  }
0x10a: {  	v61 =	vshra.s32 v2, $0x2;
	_ =	sdelay $0x3  }
0x10b: {  	v3 =	vld.idx.msk [tilespmem:v3+s16+$0x0], $0xffff  }
0x10c: {  	v4 =	vld.idx.msk [tilespmem:v61+s16+$0x0], $0xffff  }
0x10d: {  	v62 =	vld [tilespmem:s30+$0x170]  }
0x10e: {  	v63 =	vshll.u32 v1, $0x3  }
0x10f: {  	v2 =	vshll.u32 v2, $0x3;
	v6 =	vand.u32 $0x18, v63  }
0x110: {  	v2 =	vand.u32 $0x18, v2;
	v3 =	vshra.s32 v3, v6  }
0x111: {  	v1 =	vshll.u32 v1, $0x4;
	v2 =	vshra.s32 v4, v2;
	v3 =	vshll.u32 v3, $0x3  }
0x112: {  	v1 =	vadd.s32 v1, v62;
	v2 =	vshll.u32 v2, $0x2;
	v3 =	vand.u32 $0x18, v3  }
0x113: {  	v2 =	vand.u32 $0xC, v2;
	v1 =	vadd.s32 v3, v1  }
0x114: {  	v1 =	vadd.s32 v2, v1  }
0x115: {  	[tilespmem:s31+$0xE70] =	vst v1  }
0x116: {  	p0 =	seq.s32 s25, $0x4D;
	s29 =	sshll.u32 s29, $0xE;
	_ =	swait.ge [sflag:s23], $0x4000  }
0x117: {  	s25 =	sadd.s32 @!p0 $0x1, s25;
	s29 =	sor.u32 $0xF00, s29;
	[sflag:s23] =	ssyncset.done $0x0  }
0x118: {  	s30 =	sor.u32 $0xE00, s31;
	s31 =	smul.u32 $0x600, s28;
	[sflag:s23] =	ssyncadd.s32 $0xFFFFC000  }
0x119: {  	[tilespmem:s29], [sflag:$0x2] =	stream.indirect.gather [hbm4b:s5+s19], $0x80, s30, s19, $0xb8;
	[tilespmem:$0x1CB00] =	vst v63  }
0x11a: {  	p1 =	sne.s32 @!p0 s25, $0x4E;
	s28 =	sshll.u32 s28, $0xE;
	s29 =	sshrl.u32 s31, $0x2  }
0x11b: {  	p1 =	por p0, !p1;
	s28 =	sor.u32 $0xF00, s28;
	s31 =	sadd.s32 $0x80, s29  }
0x11c: {  	[spmem:s2] =	stream.indirect.scatter.add.f32 [tilespmem:s28], [sflag:$0x3], $0x80, s31, s19, $0xb8;
	[tilespmem:$0x1CB00] =	vst v63  }
.Ltmp1:
0x11d: {  	_ =	swait.ge [sflag:s17], $0x4000;
	(pc) =	sbr.rel @!p1 .LBB2_4-.Ltmp1, $4  }
0x11e: {  	[sflag:s17] =	ssyncset.done $0x0  }
0x11f: {  	s28 =	simm.s32 @!p0 $0x0;
	[sflag:s17] =	ssyncadd.s32 $0xFFFFC000  }
0x120: {  	[tilespmem:s29], [sflag:$0x1] =	stream.linear.gather @!p0 [hbm4b:s26+s28], $0x180, $0x38;
	[tilespmem:$0x1CB00] =	vst v63  }
0x121: {  	s26 =	sadd.s32 @!p0 $0x40, s26  }
0x122: {  	_ =	swait.ge [sflag:s23], $0x4000  }
0x123: {  	[sflag:s23] =	ssyncset.done $0x0  }
0x124: {  	[sflag:s23] =	ssyncadd.s32 $0xFFFFC000  }
0x125: {  	[spmem:s2] =	stream.indirect.scatter.add.f32 [tilespmem:s18], [sflag:$0x3], $0x80, s19, s19, $0xb8;
	[tilespmem:$0x1CB00] =	vst v63  }
0x126: {  	_ =	swait.ge [sflag:s17], $0x4000  }
0x127: {  	s25 =	sshll.u32 s3, $0x6;
	s24 =	sadd.s32 $0x1, s24;
	[sflag:s17] =	ssyncset.done $0x0  }
0x128: {  	s26 =	sshrl.u32 s6, $0x3;
	p0 =	sne.s32 s24, s11;
	[sflag:s17] =	ssyncadd.s32 $0xFFFFC000  }
.Ltmp2:
0x129: {  	s25 =	sor.u32 $0x1C03, s25;
	[bflag:$0x0] =	sbarrier.arrive $0xFFFF;
	(pc) =	sbr.rel @p0 .LBB2_1-.Ltmp2, $4  }
0x12a: {  	[hbm:s10], [sflag:s25] =	dma.local [spmem:s26], $0x2780  }
0x12b: {  	_ =	swait.ge [sflag:s17], $0x2780  }
0x12c: {  	[sflag:s17] =	ssyncset.done $0x0  }
0x12d: {  	[sflag:s17] =	ssyncadd.s32 $0xFFFFD880  }
0x12e: {  	_ =	sfence.sel $0x180000  }
0x12f: {  	[bflag:$0x0] =	sbarrier.arrive $0xFFFF  }
0x130: {  	p0 =	sne.s32 s3, $0x0;
	_ =	strace $0x90000047  }
0x131: {  	s0 =	sadd.s32 @!p0 $0x100000, s0;
	[bflag:$0x2] =	sbarrier.arrive $0xFFFF  }
0x132: {  	[sflag:s0] =	ssyncadd.tile.s32 @!p0 $0x1;
	_ =	shalt  }
.Lfunc_end2:
_tile_overlayer_lowered:
.L_overlay_start_2:
0x133: {  	(tag) =	ssettag $0x2  }
0x134: {  	s0 =	rddreg [dreg:$0x0];
	s2 =	stileid.u32  }
0x135: {  	s1 =	rddreg [dreg:$0x1];
	p0 =	sne.s32 s2, $0x0  }
0x136: {  	s3 =	rddreg [dreg:$0x2];
	[bflag:$0x3] =	sbarrier.arrive $0xFFFF;
	s2 =	simm.s32 @!p0 $0x1C03  }
0x137: {  	[timem:s3], [sflag:s2] =	dma.local @!p0 [hbm:s0], s1  }
0x138: {  	s0 =	simm.s32 @!p0 $0x3  }
0x139: {  	_ =	swait.ge @!p0 [sflag:s0], s1  }
0x13a: {  	s1 =	ssub.s32 @!p0 $0x0, s1;
	[sflag:s0] =	ssyncset.done @!p0 $0x0  }
0x13b: {  	[sflag:s0] =	ssyncadd.s32 @!p0 s1  }
0x13c: {  	[bflag:$0x3] =	sbarrier.arrive $0xFFFF  }
0x13d: {  	_ =	shalt  }

</sc_bundles>
